<compile_context>
chip_gen: v7x
topology: tpu7x:2x2x1
jax: 0.10.2.dev20260603
libtpu: 0.0.44.dev20260713+nightly
codegen_flags: <defaults>
</compile_context>

<pallas_src>
import functools

import jax
import jax.numpy as jnp
from jax import lax
from jax.experimental import pallas as pl
from jax.experimental.pallas import tpu as pltpu
from jax.experimental.pallas import tpu_sc as plsc

N = 8192
D = 2048
E = 16
CAPMAX = 1024
R = E * CAPMAX
L = 16
NTILES = 32
TOK_A = N // L
GROUPS_A = TOK_A // L
ROWS_B = R // NTILES
K = 16

_mesh = plsc.VectorSubcoreMesh(core_axis_name="c", subcore_axis_name="s",
                               num_cores=2, num_subcores=16)
_params = pltpu.CompilerParams(needs_layout_passes=False)


def _fused_body(logits_hbm, x_hbm, zsrc_hbm, out_hbm,
                logits_v, dst_v, pos_v, cnt_v, off_v, counts_v,
                dst_all, pos_all, perm_v, buf0, buf1, zbuf, zidx_v,
                counts_sh, dst_sh, pos_sh,
                semg0, semg1, sems0, sems1, zsem):
    cid = lax.axis_index("c")
    sid = lax.axis_index("s")
    iota = lax.iota(jnp.int32, L)
    zvec = jnp.zeros((L,), jnp.int32)

    tbase = sid * TOK_A
    pltpu.sync_copy(logits_hbm.at[pl.ds(tbase * E, TOK_A * E)], logits_v)
    pltpu.sync_copy(zsrc_hbm, zbuf)
    cnt_v[...] = zvec

    def group(g, _):
        row0 = g * L
        flat = (iota + row0) * E
        cols = [plsc.load_gather(logits_v, [flat + d]) for d in range(E)]
        m = cols[0]
        for d in range(1, E):
            m = jnp.maximum(m, cols[d])
        dst = jnp.full((L,), E, jnp.int32)
        for d in range(E - 1, -1, -1):
            dst = jnp.where(cols[d] == m, d, dst)
        basec = plsc.load_gather(cnt_v, [dst])
        rank = zvec
        inc = zvec
        for d in range(E):
            md = dst == d
            mi = md.astype(jnp.int32)
            c = plsc.cumsum(mi)
            rank = jnp.where(md, rank + c - 1, rank)
            inc = jnp.where(iota == d, jnp.sum(mi), inc)
        cnt_v[...] = cnt_v[...] + inc
        dst_v[pl.ds(row0, L)] = dst
        pos_v[pl.ds(row0, L)] = basec + rank
        return 0

    lax.fori_loop(0, GROUPS_A, group, 0)

    pltpu.sync_copy(cnt_v, counts_sh.at[pl.ds(sid * L, L)])
    plsc.subcore_barrier()
    pltpu.sync_copy(counts_sh, counts_v)

    off = zvec
    tot = zvec
    sidv = jnp.full((L,), sid, jnp.int32)
    for t in range(L):
        row = counts_v[pl.ds(t * L, L)]
        off = off + jnp.where(sidv > t, row, zvec)
        tot = tot + row
    off_v[...] = off

    def add_off(g, _):
        row0 = g * L
        dstg = dst_v[pl.ds(row0, L)]
        pos_v[pl.ds(row0, L)] = (pos_v[pl.ds(row0, L)]
                                 + plsc.load_gather(off_v, [dstg]))
        return 0

    lax.fori_loop(0, GROUPS_A, add_off, 0)
    pltpu.sync_copy(dst_v, dst_sh.at[pl.ds(tbase, TOK_A)])
    pltpu.sync_copy(pos_v, pos_sh.at[pl.ds(tbase, TOK_A)])

    maxc = jnp.max(tot)
    cap = jnp.where(maxc <= 128, 128,
          jnp.where(maxc <= 256, 256,
          jnp.where(maxc <= 512, 512, CAPMAX))).astype(jnp.int32)
    cvec = jnp.minimum(tot, cap)

    plsc.subcore_barrier()

    wid = cid * 16 + sid
    base = wid * ROWS_B
    e = wid // (CAPMAX // ROWS_B)
    h0 = (wid % (CAPMAX // ROWS_B)) * ROWS_B
    ev = jnp.full((L,), e, jnp.int32)
    h0v = jnp.full((L,), h0, jnp.int32)
    v = jnp.sum(jnp.where(iota == ev, jnp.clip(cvec - h0v, 0, ROWS_B), zvec))
    nch = (v + K - 1) // K

    nzb = (ROWS_B - nch * K) // K

    def zdesc(j):
        start = pl.multiple_of(base + (nch + j) * K, 8)
        return pltpu.make_async_copy(zbuf, out_hbm.at[pl.ds(start, K)], zsem)

    def zfire(j, _):
        zdesc(j).start()
        return 0

    lax.fori_loop(0, nzb, zfire, 0)

    pltpu.sync_copy(dst_sh, dst_all)
    pltpu.sync_copy(pos_sh, pos_all)

    def initp(i, _):
        perm_v[pl.ds(i * L, L)] = zvec
        return 0

    lax.fori_loop(0, ROWS_B // L, initp, 0)

    def scan(g, _):
        t0 = g * L
        dstg = dst_all[pl.ds(t0, L)]
        posg = pos_all[pl.ds(t0, L)]
        rel = posg - h0v
        mask = (dstg == ev) & (rel >= 0) & (rel < ROWS_B)
        plsc.store_scatter(perm_v, [rel], iota + t0, mask=mask)
        return 0

    lax.fori_loop(0, N // L, scan, 0)

    def gdesc(c, buf, semg):
        pvals = perm_v[pl.ds(c * K, K)]
        return pltpu.make_async_copy(x_hbm.at[pvals], buf, semg)

    def gstart(c, buf, semg):
        gdesc(c, buf, semg).start()

    def gwait(c, buf, semg):
        gdesc(c, buf, semg).wait()

    def sdesc(c, buf, sems):
        start = pl.multiple_of(base + c * K, 8)
        return pltpu.make_async_copy(buf, out_hbm.at[pl.ds(start, K)], sems)

    @pl.when(nch > 0)
    def _():
        gstart(0, buf0, semg0)

    def gstep(c, buf, semg, sems, obuf, osemg, osems):
        @pl.when(c >= 1)
        def _():
            sdesc(c - 1, obuf, osems).wait()

        @pl.when(c + 1 < nch)
        def _():
            gstart(c + 1, obuf, osemg)

        gwait(c, buf, semg)
        sdesc(c, buf, sems).start()

    def gbody(c, _):
        @pl.when(c % 2 == 0)
        def _():
            gstep(c, buf0, semg0, sems0, buf1, semg1, sems1)

        @pl.when(c % 2 == 1)
        def _():
            gstep(c, buf1, semg1, sems1, buf0, semg0, sems0)

        return 0

    lax.fori_loop(0, nch, gbody, 0)

    @pl.when((nch >= 1) & (nch % 2 == 1))
    def _():
        sdesc(nch - 1, buf0, sems0).wait()

    @pl.when((nch >= 1) & (nch % 2 == 0))
    def _():
        sdesc(nch - 1, buf1, sems1).wait()

    @pl.when(v < nch * K)
    def _():
        zidx_v[...] = jnp.minimum(base + v + iota, base + nch * K - 1)
        pltpu.async_copy(zbuf, out_hbm.at[zidx_v], zsem).wait()

    def zdrain(j, _):
        zdesc(j).wait()
        return 0

    lax.fori_loop(0, nzb, zdrain, 0)


_fused = functools.partial(
    pl.kernel,
    out_type=jax.ShapeDtypeStruct((R, D), jnp.float32),
    mesh=_mesh,
    scratch_types=[
        pltpu.VMEM((TOK_A * E,), jnp.float32),
        pltpu.VMEM((TOK_A,), jnp.int32),
        pltpu.VMEM((TOK_A,), jnp.int32),
        pltpu.VMEM((L,), jnp.int32),
        pltpu.VMEM((L,), jnp.int32),
        pltpu.VMEM((L * L,), jnp.int32),
        pltpu.VMEM((N,), jnp.int32),
        pltpu.VMEM((N,), jnp.int32),
        pltpu.VMEM((ROWS_B,), jnp.int32),
        pltpu.VMEM((K, D), jnp.float32),
        pltpu.VMEM((K, D), jnp.float32),
        pltpu.VMEM((L, D), jnp.float32),
        pltpu.VMEM((L,), jnp.int32),
        pltpu.VMEM_SHARED((L * L,), jnp.int32),
        pltpu.VMEM_SHARED((N,), jnp.int32),
        pltpu.VMEM_SHARED((N,), jnp.int32),
        pltpu.SemaphoreType.DMA,
        pltpu.SemaphoreType.DMA,
        pltpu.SemaphoreType.DMA,
        pltpu.SemaphoreType.DMA,
        pltpu.SemaphoreType.DMA,
    ],
    compiler_params=_params,
)(_fused_body)


def kernel(x, route_logits):
    zsrc = jnp.zeros((L, D), jnp.float32)
    out = _fused(route_logits.reshape(N * E), x, zsrc)
    return out.reshape(E, CAPMAX, D)

# --- scband reference (transcript-rebuilt; emitter-appended) ---
"""Pipeline reference for scband-rand-homo-fused-scatter-router-34737695490469 (READ-ONLY COPY).

The authoritative reference and input builder live on the scoring server;
editing this copy changes nothing except your own understanding.
"""

import jax, jax.numpy as jnp
import numpy as np

DST_NUM = 16
SUPPORTED = jnp.array([128, 256, 512, 1024], dtype=jnp.int32)
CAP = 1024  # max supported capacity -> static buffer size


def setup_inputs(seed: int = 0) -> dict:
    key = jax.random.key(seed)
    k1, k2 = jax.random.split(key)
    x = jax.random.normal(k1, (8192, 2048), dtype=jnp.float32)
    # _rand_route_func: random logits over dst_num destinations per token
    route_logits = jax.random.normal(k2, (8192, DST_NUM), dtype=jnp.float32)
    return {"x": x, "route_logits": route_logits}


def _route(x, route_logits):
    # top-1 (k=1) random routing, transform=False (no gate scaling)
    dst = jnp.argmax(route_logits, axis=1)  # [N]
    oh = jax.nn.one_hot(dst, DST_NUM, dtype=jnp.int32)  # [N, E]
    # position of each token within its destination (arrival order)
    pos = jnp.cumsum(oh, axis=0) - 1  # [N, E]
    pos = jnp.take_along_axis(pos, dst[:, None], axis=1)[:, 0]  # [N]
    # per-destination load, pick smallest supported capacity covering the max load
    counts = jnp.sum(oh, axis=0)  # [E]
    max_count = jnp.max(counts)
    cidx = jnp.searchsorted(SUPPORTED, max_count)
    cidx = jnp.minimum(cidx, SUPPORTED.shape[0] - 1)
    real_cap = SUPPORTED[cidx]
    keep = pos < real_cap
    vals = jnp.where(keep[:, None], x, 0.0)
    pos_safe = jnp.where(keep, pos, CAP)  # out-of-range positions get dropped
    # fused scatter into [dst_num, capacity, d] expert buffers
    out = jnp.zeros((DST_NUM, CAP, x.shape[1]), x.dtype)
    out = out.at[dst, pos_safe].set(vals, mode='drop')
    return out


def reference(x, route_logits):
    return _route(x, route_logits)

if __name__ == "__main__":
    import jax
    _d = setup_inputs()
    print(jax.jit(kernel)(*tuple(_d.values())))

</pallas_src>

<mosaic_0001>
#map = affine_map<(d0, d1) -> (0)>
#map1 = affine_map<(d0, d1) -> (0, 0)>
module attributes {stable_mosaic.version = 14 : i64} {
  func.func @_fused_body(%arg0: i32, %arg1: i32, %arg2: memref<131072xf32, #tpu.memory_space<hbm>>, %arg3: memref<8192x2048xf32, #tpu.memory_space<hbm>>, %arg4: memref<16x2048xf32, #tpu.memory_space<hbm>>, %arg5: memref<16384x2048xf32, #tpu.memory_space<hbm>>, %arg6: memref<8192xf32, #tpu.memory_space<vmem>>, %arg7: memref<512xi32, #tpu.memory_space<vmem>>, %arg8: memref<512xi32, #tpu.memory_space<vmem>>, %arg9: memref<16xi32, #tpu.memory_space<vmem>>, %arg10: memref<16xi32, #tpu.memory_space<vmem>>, %arg11: memref<256xi32, #tpu.memory_space<vmem>>, %arg12: memref<8192xi32, #tpu.memory_space<vmem>>, %arg13: memref<8192xi32, #tpu.memory_space<vmem>>, %arg14: memref<512xi32, #tpu.memory_space<vmem>>, %arg15: memref<16x2048xf32, #tpu.memory_space<vmem>>, %arg16: memref<16x2048xf32, #tpu.memory_space<vmem>>, %arg17: memref<16x2048xf32, #tpu.memory_space<vmem>>, %arg18: memref<16xi32, #tpu.memory_space<vmem>>, %arg19: memref<256xi32, #tpu.memory_space<vmem_shared>>, %arg20: memref<8192xi32, #tpu.memory_space<vmem_shared>>, %arg21: memref<8192xi32, #tpu.memory_space<vmem_shared>>, %arg22: memref<!tpu.dma_semaphore, #tpu.memory_space<semaphore_mem>>, %arg23: memref<!tpu.dma_semaphore, #tpu.memory_space<semaphore_mem>>, %arg24: memref<!tpu.dma_semaphore, #tpu.memory_space<semaphore_mem>>, %arg25: memref<!tpu.dma_semaphore, #tpu.memory_space<semaphore_mem>>, %arg26: memref<!tpu.dma_semaphore, #tpu.memory_space<semaphore_mem>>) attributes {dimension_semantics = [#tpu.dimension_semantics<core_parallel>, #tpu.dimension_semantics<subcore_parallel>], iteration_bounds = array<i64: 2, 16>, scalar_prefetch = 0 : i64, scratch_operands = 21 : i64, tpu.core_type = #tpu.core_type<sc_vector_subcore>, window_params = [{transform_indices = #map}, {transform_indices = #map1}, {transform_indices = #map1}, {transform_indices = #map1}]} {
    %iota3A = tpu.iota {dimensions = array<i32: 0>} : vector<16xi32>
    %broadcast_in_dim3A = arith.constant 0 : i32
    %broadcast_in_dim3A_0 = vector.broadcast %broadcast_in_dim3A : i32 to vector<16xi32>
    %mul3A = arith.constant 512 : i32
    %mul3A_1 = arith.muli %arg1, %mul3A : i32
    %mul3A_2 = arith.constant 16 : i32
    %mul3A_3 = arith.muli %mul3A_1, %mul3A_2 : i32
    "tpu.region"() ({
      %run_scoped3A = tpu.sem_alloc : memref<!tpu.dma_semaphore, #tpu.memory_space<semaphore_mem>>
      %dma_start3A = tpu.memref_slice %arg2[%mul3A_3] : memref<131072xf32, #tpu.memory_space<hbm>> -> memref<8192xf32, #tpu.memory_space<hbm>>
      %dma_start3A_380 = tpu.memref_slice %arg2[%mul3A_3] : memref<131072xf32, #tpu.memory_space<hbm>> -> memref<8192xf32, #tpu.memory_space<hbm>>
      tpu.enqueue_dma source(%dma_start3A_380 : memref<8192xf32, #tpu.memory_space<hbm>>) target(%arg6 : memref<8192xf32, #tpu.memory_space<vmem>>) target_semaphore(%run_scoped3A : memref<!tpu.dma_semaphore, #tpu.memory_space<semaphore_mem>>)
      %dma_wait3A = tpu.memref_slice %arg2[%mul3A_3] : memref<131072xf32, #tpu.memory_space<hbm>> -> memref<8192xf32, #tpu.memory_space<hbm>>
      %dma_wait3A_381 = tpu.memref_slice %arg2[%mul3A_3] : memref<131072xf32, #tpu.memory_space<hbm>> -> memref<8192xf32, #tpu.memory_space<hbm>>
      tpu.wait_dma2 semaphore(%run_scoped3A : memref<!tpu.dma_semaphore, #tpu.memory_space<semaphore_mem>>) src(%dma_wait3A_381 : memref<8192xf32, #tpu.memory_space<hbm>>) dst(%arg6 : memref<8192xf32, #tpu.memory_space<vmem>>)
      tpu.yield
    }) : () -> ()
    "tpu.region"() ({
      %run_scoped3A = tpu.sem_alloc : memref<!tpu.dma_semaphore, #tpu.memory_space<semaphore_mem>>
      tpu.enqueue_dma source(%arg4 : memref<16x2048xf32, #tpu.memory_space<hbm>>) target(%arg17 : memref<16x2048xf32, #tpu.memory_space<vmem>>) target_semaphore(%run_scoped3A : memref<!tpu.dma_semaphore, #tpu.memory_space<semaphore_mem>>)
      tpu.wait_dma2 semaphore(%run_scoped3A : memref<!tpu.dma_semaphore, #tpu.memory_space<semaphore_mem>>) src(%arg4 : memref<16x2048xf32, #tpu.memory_space<hbm>>) dst(%arg17 : memref<16x2048xf32, #tpu.memory_space<vmem>>)
      tpu.yield
    }) : () -> ()
    %swap3A = arith.constant 0 : index
    %swap3A_4 = tpu.vector_load %arg9[%swap3A] {strides = array<i32>} : memref<16xi32, #tpu.memory_space<vmem>>, vector<16xi32>,
    tpu.vector_store %arg9[%swap3A], %broadcast_in_dim3A_0 {strides = array<i32>} : memref<16xi32, #tpu.memory_space<vmem>>, vector<16xi32>,
    %scan3A = arith.constant 0 : i32
    %scan3A_5 = arith.constant 0 : i32
    %scan3A_6 = arith.constant 32 : i32
    %scan3A_7 = arith.addi %scan3A_5, %scan3A_6 : i32
    %scan3A_8 = arith.constant 1 : i32
    %scan3A_9 = scf.for %scan3A_380 = %scan3A_5 to %scan3A_7 step %scan3A_8 iter_args(%scan3A_381 = %scan3A) -> (i32)  : i32 {
      %mul3A_382 = arith.constant 16 : i32
      %mul3A_383 = arith.muli %scan3A_380, %mul3A_382 : i32
      %add3A_384 = vector.broadcast %mul3A_383 : i32 to vector<16xi32>
      %add3A_385 = arith.addi %iota3A, %add3A_384 : vector<16xi32>
      %mul3A_386 = arith.constant 16 : i32
      %mul3A_387 = vector.broadcast %mul3A_386 : i32 to vector<16xi32>
      %mul3A_388 = arith.muli %add3A_385, %mul3A_387 : vector<16xi32>
      %add3A_389 = arith.constant 0 : i32
      %add3A_390 = vector.broadcast %add3A_389 : i32 to vector<16xi32>
      %add3A_391 = arith.addi %mul3A_388, %add3A_390 : vector<16xi32>
      %gather3A = tpu.vector_load_idx %arg6[%add3A_391] : memref<8192xf32, #tpu.memory_space<vmem>>[vector<16xi32>], vector<16xf32>,
      %add3A_392 = arith.constant 1 : i32
      %add3A_393 = vector.broadcast %add3A_392 : i32 to vector<16xi32>
      %add3A_394 = arith.addi %mul3A_388, %add3A_393 : vector<16xi32>
      %gather3A_395 = tpu.vector_load_idx %arg6[%add3A_394] : memref<8192xf32, #tpu.memory_space<vmem>>[vector<16xi32>], vector<16xf32>,
      %add3A_396 = arith.constant 2 : i32
      %add3A_397 = vector.broadcast %add3A_396 : i32 to vector<16xi32>
      %add3A_398 = arith.addi %mul3A_388, %add3A_397 : vector<16xi32>
      %gather3A_399 = tpu.vector_load_idx %arg6[%add3A_398] : memref<8192xf32, #tpu.memory_space<vmem>>[vector<16xi32>], vector<16xf32>,
      %add3A_400 = arith.constant 3 : i32
      %add3A_401 = vector.broadcast %add3A_400 : i32 to vector<16xi32>
      %add3A_402 = arith.addi %mul3A_388, %add3A_401 : vector<16xi32>
      %gather3A_403 = tpu.vector_load_idx %arg6[%add3A_402] : memref<8192xf32, #tpu.memory_space<vmem>>[vector<16xi32>], vector<16xf32>,
      %add3A_404 = arith.constant 4 : i32
      %add3A_405 = vector.broadcast %add3A_404 : i32 to vector<16xi32>
      %add3A_406 = arith.addi %mul3A_388, %add3A_405 : vector<16xi32>
      %gather3A_407 = tpu.vector_load_idx %arg6[%add3A_406] : memref<8192xf32, #tpu.memory_space<vmem>>[vector<16xi32>], vector<16xf32>,
      %add3A_408 = arith.constant 5 : i32
      %add3A_409 = vector.broadcast %add3A_408 : i32 to vector<16xi32>
      %add3A_410 = arith.addi %mul3A_388, %add3A_409 : vector<16xi32>
      %gather3A_411 = tpu.vector_load_idx %arg6[%add3A_410] : memref<8192xf32, #tpu.memory_space<vmem>>[vector<16xi32>], vector<16xf32>,
      %add3A_412 = arith.constant 6 : i32
      %add3A_413 = vector.broadcast %add3A_412 : i32 to vector<16xi32>
      %add3A_414 = arith.addi %mul3A_388, %add3A_413 : vector<16xi32>
      %gather3A_415 = tpu.vector_load_idx %arg6[%add3A_414] : memref<8192xf32, #tpu.memory_space<vmem>>[vector<16xi32>], vector<16xf32>,
      %add3A_416 = arith.constant 7 : i32
      %add3A_417 = vector.broadcast %add3A_416 : i32 to vector<16xi32>
      %add3A_418 = arith.addi %mul3A_388, %add3A_417 : vector<16xi32>
      %gather3A_419 = tpu.vector_load_idx %arg6[%add3A_418] : memref<8192xf32, #tpu.memory_space<vmem>>[vector<16xi32>], vector<16xf32>,
      %add3A_420 = arith.constant 8 : i32
      %add3A_421 = vector.broadcast %add3A_420 : i32 to vector<16xi32>
      %add3A_422 = arith.addi %mul3A_388, %add3A_421 : vector<16xi32>
      %gather3A_423 = tpu.vector_load_idx %arg6[%add3A_422] : memref<8192xf32, #tpu.memory_space<vmem>>[vector<16xi32>], vector<16xf32>,
      %add3A_424 = arith.constant 9 : i32
      %add3A_425 = vector.broadcast %add3A_424 : i32 to vector<16xi32>
      %add3A_426 = arith.addi %mul3A_388, %add3A_425 : vector<16xi32>
      %gather3A_427 = tpu.vector_load_idx %arg6[%add3A_426] : memref<8192xf32, #tpu.memory_space<vmem>>[vector<16xi32>], vector<16xf32>,
      %add3A_428 = arith.constant 10 : i32
      %add3A_429 = vector.broadcast %add3A_428 : i32 to vector<16xi32>
      %add3A_430 = arith.addi %mul3A_388, %add3A_429 : vector<16xi32>
      %gather3A_431 = tpu.vector_load_idx %arg6[%add3A_430] : memref<8192xf32, #tpu.memory_space<vmem>>[vector<16xi32>], vector<16xf32>,
      %add3A_432 = arith.constant 11 : i32
      %add3A_433 = vector.broadcast %add3A_432 : i32 to vector<16xi32>
      %add3A_434 = arith.addi %mul3A_388, %add3A_433 : vector<16xi32>
      %gather3A_435 = tpu.vector_load_idx %arg6[%add3A_434] : memref<8192xf32, #tpu.memory_space<vmem>>[vector<16xi32>], vector<16xf32>,
      %add3A_436 = arith.constant 12 : i32
      %add3A_437 = vector.broadcast %add3A_436 : i32 to vector<16xi32>
      %add3A_438 = arith.addi %mul3A_388, %add3A_437 : vector<16xi32>
      %gather3A_439 = tpu.vector_load_idx %arg6[%add3A_438] : memref<8192xf32, #tpu.memory_space<vmem>>[vector<16xi32>], vector<16xf32>,
      %add3A_440 = arith.constant 13 : i32
      %add3A_441 = vector.broadcast %add3A_440 : i32 to vector<16xi32>
      %add3A_442 = arith.addi %mul3A_388, %add3A_441 : vector<16xi32>
      %gather3A_443 = tpu.vector_load_idx %arg6[%add3A_442] : memref<8192xf32, #tpu.memory_space<vmem>>[vector<16xi32>], vector<16xf32>,
      %add3A_444 = arith.constant 14 : i32
      %add3A_445 = vector.broadcast %add3A_444 : i32 to vector<16xi32>
      %add3A_446 = arith.addi %mul3A_388, %add3A_445 : vector<16xi32>
      %gather3A_447 = tpu.vector_load_idx %arg6[%add3A_446] : memref<8192xf32, #tpu.memory_space<vmem>>[vector<16xi32>], vector<16xf32>,
      %add3A_448 = arith.constant 15 : i32
      %add3A_449 = vector.broadcast %add3A_448 : i32 to vector<16xi32>
      %add3A_450 = arith.addi %mul3A_388, %add3A_449 : vector<16xi32>
      %gather3A_451 = tpu.vector_load_idx %arg6[%add3A_450] : memref<8192xf32, #tpu.memory_space<vmem>>[vector<16xi32>], vector<16xf32>,
      %max3A_452 = arith.maximumf %gather3A, %gather3A_395 : vector<16xf32>
      %max3A_453 = arith.maximumf %max3A_452, %gather3A_399 : vector<16xf32>
      %max3A_454 = arith.maximumf %max3A_453, %gather3A_403 : vector<16xf32>
      %max3A_455 = arith.maximumf %max3A_454, %gather3A_407 : vector<16xf32>
      %max3A_456 = arith.maximumf %max3A_455, %gather3A_411 : vector<16xf32>
      %max3A_457 = arith.maximumf %max3A_456, %gather3A_415 : vector<16xf32>
      %max3A_458 = arith.maximumf %max3A_457, %gather3A_419 : vector<16xf32>
      %max3A_459 = arith.maximumf %max3A_458, %gather3A_423 : vector<16xf32>
      %max3A_460 = arith.maximumf %max3A_459, %gather3A_427 : vector<16xf32>
      %max3A_461 = arith.maximumf %max3A_460, %gather3A_431 : vector<16xf32>
      %max3A_462 = arith.maximumf %max3A_461, %gather3A_435 : vector<16xf32>
      %max3A_463 = arith.maximumf %max3A_462, %gather3A_439 : vector<16xf32>
      %max3A_464 = arith.maximumf %max3A_463, %gather3A_443 : vector<16xf32>
      %max3A_465 = arith.maximumf %max3A_464, %gather3A_447 : vector<16xf32>
      %max3A_466 = arith.maximumf %max3A_465, %gather3A_451 : vector<16xf32>
      %broadcast_in_dim3A_467 = arith.constant 16 : i32
      %broadcast_in_dim3A_468 = vector.broadcast %broadcast_in_dim3A_467 : i32 to vector<16xi32>
      %eq3A_469 = arith.cmpf oeq, %gather3A_451, %max3A_466 : vector<16xf32>
      %jit3A_470 = arith.constant 15 : i32
      %broadcast_in_dim3A_471 = vector.broadcast %jit3A_470 : i32 to vector<16xi32>
      %select_n3A_472 = arith.select %eq3A_469, %broadcast_in_dim3A_471, %broadcast_in_dim3A_468 : vector<16xi1>, vector<16xi32>
      %eq3A_473 = arith.cmpf oeq, %gather3A_447, %max3A_466 : vector<16xf32>
      %jit3A_474 = arith.constant 14 : i32
      %broadcast_in_dim3A_475 = vector.broadcast %jit3A_474 : i32 to vector<16xi32>
      %select_n3A_476 = arith.select %eq3A_473, %broadcast_in_dim3A_475, %select_n3A_472 : vector<16xi1>, vector<16xi32>
      %eq3A_477 = arith.cmpf oeq, %gather3A_443, %max3A_466 : vector<16xf32>
      %jit3A_478 = arith.constant 13 : i32
      %broadcast_in_dim3A_479 = vector.broadcast %jit3A_478 : i32 to vector<16xi32>
      %select_n3A_480 = arith.select %eq3A_477, %broadcast_in_dim3A_479, %select_n3A_476 : vector<16xi1>, vector<16xi32>
      %eq3A_481 = arith.cmpf oeq, %gather3A_439, %max3A_466 : vector<16xf32>
      %jit3A_482 = arith.constant 12 : i32
      %broadcast_in_dim3A_483 = vector.broadcast %jit3A_482 : i32 to vector<16xi32>
      %select_n3A_484 = arith.select %eq3A_481, %broadcast_in_dim3A_483, %select_n3A_480 : vector<16xi1>, vector<16xi32>
      %eq3A_485 = arith.cmpf oeq, %gather3A_435, %max3A_466 : vector<16xf32>
      %jit3A_486 = arith.constant 11 : i32
      %broadcast_in_dim3A_487 = vector.broadcast %jit3A_486 : i32 to vector<16xi32>
      %select_n3A_488 = arith.select %eq3A_485, %broadcast_in_dim3A_487, %select_n3A_484 : vector<16xi1>, vector<16xi32>
      %eq3A_489 = arith.cmpf oeq, %gather3A_431, %max3A_466 : vector<16xf32>
      %jit3A_490 = arith.constant 10 : i32
      %broadcast_in_dim3A_491 = vector.broadcast %jit3A_490 : i32 to vector<16xi32>
      %select_n3A_492 = arith.select %eq3A_489, %broadcast_in_dim3A_491, %select_n3A_488 : vector<16xi1>, vector<16xi32>
      %eq3A_493 = arith.cmpf oeq, %gather3A_427, %max3A_466 : vector<16xf32>
      %jit3A_494 = arith.constant 9 : i32
      %broadcast_in_dim3A_495 = vector.broadcast %jit3A_494 : i32 to vector<16xi32>
      %select_n3A_496 = arith.select %eq3A_493, %broadcast_in_dim3A_495, %select_n3A_492 : vector<16xi1>, vector<16xi32>
      %eq3A_497 = arith.cmpf oeq, %gather3A_423, %max3A_466 : vector<16xf32>
      %jit3A_498 = arith.constant 8 : i32
      %broadcast_in_dim3A_499 = vector.broadcast %jit3A_498 : i32 to vector<16xi32>
      %select_n3A_500 = arith.select %eq3A_497, %broadcast_in_dim3A_499, %select_n3A_496 : vector<16xi1>, vector<16xi32>
      %eq3A_501 = arith.cmpf oeq, %gather3A_419, %max3A_466 : vector<16xf32>
      %jit3A_502 = arith.constant 7 : i32
      %broadcast_in_dim3A_503 = vector.broadcast %jit3A_502 : i32 to vector<16xi32>
      %select_n3A_504 = arith.select %eq3A_501, %broadcast_in_dim3A_503, %select_n3A_500 : vector<16xi1>, vector<16xi32>
      %eq3A_505 = arith.cmpf oeq, %gather3A_415, %max3A_466 : vector<16xf32>
      %jit3A_506 = arith.constant 6 : i32
      %broadcast_in_dim3A_507 = vector.broadcast %jit3A_506 : i32 to vector<16xi32>
      %select_n3A_508 = arith.select %eq3A_505, %broadcast_in_dim3A_507, %select_n3A_504 : vector<16xi1>, vector<16xi32>
      %eq3A_509 = arith.cmpf oeq, %gather3A_411, %max3A_466 : vector<16xf32>
      %jit3A_510 = arith.constant 5 : i32
      %broadcast_in_dim3A_511 = vector.broadcast %jit3A_510 : i32 to vector<16xi32>
      %select_n3A_512 = arith.select %eq3A_509, %broadcast_in_dim3A_511, %select_n3A_508 : vector<16xi1>, vector<16xi32>
      %eq3A_513 = arith.cmpf oeq, %gather3A_407, %max3A_466 : vector<16xf32>
      %jit3A_514 = arith.constant 4 : i32
      %broadcast_in_dim3A_515 = vector.broadcast %jit3A_514 : i32 to vector<16xi32>
      %select_n3A_516 = arith.select %eq3A_513, %broadcast_in_dim3A_515, %select_n3A_512 : vector<16xi1>, vector<16xi32>
      %eq3A_517 = arith.cmpf oeq, %gather3A_403, %max3A_466 : vector<16xf32>
      %jit3A_518 = arith.constant 3 : i32
      %broadcast_in_dim3A_519 = vector.broadcast %jit3A_518 : i32 to vector<16xi32>
      %select_n3A_520 = arith.select %eq3A_517, %broadcast_in_dim3A_519, %select_n3A_516 : vector<16xi1>, vector<16xi32>
      %eq3A_521 = arith.cmpf oeq, %gather3A_399, %max3A_466 : vector<16xf32>
      %jit3A_522 = arith.constant 2 : i32
      %broadcast_in_dim3A_523 = vector.broadcast %jit3A_522 : i32 to vector<16xi32>
      %select_n3A_524 = arith.select %eq3A_521, %broadcast_in_dim3A_523, %select_n3A_520 : vector<16xi1>, vector<16xi32>
      %eq3A_525 = arith.cmpf oeq, %gather3A_395, %max3A_466 : vector<16xf32>
      %jit3A_526 = arith.constant 1 : i32
      %broadcast_in_dim3A_527 = vector.broadcast %jit3A_526 : i32 to vector<16xi32>
      %select_n3A_528 = arith.select %eq3A_525, %broadcast_in_dim3A_527, %select_n3A_524 : vector<16xi1>, vector<16xi32>
      %eq3A_529 = arith.cmpf oeq, %gather3A, %max3A_466 : vector<16xf32>
      %jit3A_530 = arith.constant 0 : i32
      %broadcast_in_dim3A_531 = vector.broadcast %jit3A_530 : i32 to vector<16xi32>
      %select_n3A_532 = arith.select %eq3A_529, %broadcast_in_dim3A_531, %select_n3A_528 : vector<16xi1>, vector<16xi32>
      %gather3A_533 = tpu.vector_load_idx %arg9[%select_n3A_532] : memref<16xi32, #tpu.memory_space<vmem>>[vector<16xi32>], vector<16xi32>,
      %eq3A_534 = arith.constant 0 : i32
      %eq3A_535 = vector.broadcast %eq3A_534 : i32 to vector<16xi32>
      %eq3A_536 = arith.cmpi eq, %select_n3A_532, %eq3A_535 : vector<16xi32>
      %convert_element_type3A_537 = arith.extui %eq3A_536 : vector<16xi1> to vector<16xi32>
      %broadcast_in_dim3A_538 = arith.constant true
      %broadcast_in_dim3A_539 = vector.broadcast %broadcast_in_dim3A_538 : i1 to vector<16xi1>
      %masked_cumsum3A = tpu.scan <sum>, %convert_element_type3A_537 masked %broadcast_in_dim3A_539 : vector<16xi32>, vector<16xi1> -> vector<16xi32>
      %add3A_540 = arith.addi %broadcast_in_dim3A_0, %masked_cumsum3A : vector<16xi32>
      %sub3A_541 = arith.constant 1 : i32
      %sub3A_542 = vector.broadcast %sub3A_541 : i32 to vector<16xi32>
      %sub3A_543 = arith.subi %add3A_540, %sub3A_542 : vector<16xi32>
      %select_n3A_544 = arith.select %eq3A_536, %sub3A_543, %broadcast_in_dim3A_0 : vector<16xi1>, vector<16xi32>
      %eq3A_545 = arith.constant 0 : i32
      %eq3A_546 = vector.broadcast %eq3A_545 : i32 to vector<16xi32>
      %eq3A_547 = arith.cmpi eq, %iota3A, %eq3A_546 : vector<16xi32>
      %reduce_sum3A_548 = arith.constant true
      %reduce_sum3A_549 = vector.broadcast %reduce_sum3A_548 : i1 to vector<16xi1>
      %reduce_sum3A_550 = tpu.scan <sum>, %convert_element_type3A_537 masked %reduce_sum3A_549 : vector<16xi32>, vector<16xi1> -> vector<16xi32>
      %reduce_sum3A_551 = vector.extract %reduce_sum3A_550[15] : i32 from vector<16xi32>
      %broadcast_in_dim3A_552 = vector.broadcast %reduce_sum3A_551 : i32 to vector<16xi32>
      %select_n3A_553 = arith.select %eq3A_547, %broadcast_in_dim3A_552, %broadcast_in_dim3A_0 : vector<16xi1>, vector<16xi32>
      %eq3A_554 = arith.constant 1 : i32
      %eq3A_555 = vector.broadcast %eq3A_554 : i32 to vector<16xi32>
      %eq3A_556 = arith.cmpi eq, %select_n3A_532, %eq3A_555 : vector<16xi32>
      %convert_element_type3A_557 = arith.extui %eq3A_556 : vector<16xi1> to vector<16xi32>
      %broadcast_in_dim3A_558 = arith.constant true
      %broadcast_in_dim3A_559 = vector.broadcast %broadcast_in_dim3A_558 : i1 to vector<16xi1>
      %masked_cumsum3A_560 = tpu.scan <sum>, %convert_element_type3A_557 masked %broadcast_in_dim3A_559 : vector<16xi32>, vector<16xi1> -> vector<16xi32>
      %add3A_561 = arith.addi %select_n3A_544, %masked_cumsum3A_560 : vector<16xi32>
      %sub3A_562 = arith.constant 1 : i32
      %sub3A_563 = vector.broadcast %sub3A_562 : i32 to vector<16xi32>
      %sub3A_564 = arith.subi %add3A_561, %sub3A_563 : vector<16xi32>
      %select_n3A_565 = arith.select %eq3A_556, %sub3A_564, %select_n3A_544 : vector<16xi1>, vector<16xi32>
      %eq3A_566 = arith.constant 1 : i32
      %eq3A_567 = vector.broadcast %eq3A_566 : i32 to vector<16xi32>
      %eq3A_568 = arith.cmpi eq, %iota3A, %eq3A_567 : vector<16xi32>
      %reduce_sum3A_569 = arith.constant true
      %reduce_sum3A_570 = vector.broadcast %reduce_sum3A_569 : i1 to vector<16xi1>
      %reduce_sum3A_571 = tpu.scan <sum>, %convert_element_type3A_557 masked %reduce_sum3A_570 : vector<16xi32>, vector<16xi1> -> vector<16xi32>
      %reduce_sum3A_572 = vector.extract %reduce_sum3A_571[15] : i32 from vector<16xi32>
      %broadcast_in_dim3A_573 = vector.broadcast %reduce_sum3A_572 : i32 to vector<16xi32>
      %select_n3A_574 = arith.select %eq3A_568, %broadcast_in_dim3A_573, %select_n3A_553 : vector<16xi1>, vector<16xi32>
      %eq3A_575 = arith.constant 2 : i32
      %eq3A_576 = vector.broadcast %eq3A_575 : i32 to vector<16xi32>
      %eq3A_577 = arith.cmpi eq, %select_n3A_532, %eq3A_576 : vector<16xi32>
      %convert_element_type3A_578 = arith.extui %eq3A_577 : vector<16xi1> to vector<16xi32>
      %broadcast_in_dim3A_579 = arith.constant true
      %broadcast_in_dim3A_580 = vector.broadcast %broadcast_in_dim3A_579 : i1 to vector<16xi1>
      %masked_cumsum3A_581 = tpu.scan <sum>, %convert_element_type3A_578 masked %broadcast_in_dim3A_580 : vector<16xi32>, vector<16xi1> -> vector<16xi32>
      %add3A_582 = arith.addi %select_n3A_565, %masked_cumsum3A_581 : vector<16xi32>
      %sub3A_583 = arith.constant 1 : i32
      %sub3A_584 = vector.broadcast %sub3A_583 : i32 to vector<16xi32>
      %sub3A_585 = arith.subi %add3A_582, %sub3A_584 : vector<16xi32>
      %select_n3A_586 = arith.select %eq3A_577, %sub3A_585, %select_n3A_565 : vector<16xi1>, vector<16xi32>
      %eq3A_587 = arith.constant 2 : i32
      %eq3A_588 = vector.broadcast %eq3A_587 : i32 to vector<16xi32>
      %eq3A_589 = arith.cmpi eq, %iota3A, %eq3A_588 : vector<16xi32>
      %reduce_sum3A_590 = arith.constant true
      %reduce_sum3A_591 = vector.broadcast %reduce_sum3A_590 : i1 to vector<16xi1>
      %reduce_sum3A_592 = tpu.scan <sum>, %convert_element_type3A_578 masked %reduce_sum3A_591 : vector<16xi32>, vector<16xi1> -> vector<16xi32>
      %reduce_sum3A_593 = vector.extract %reduce_sum3A_592[15] : i32 from vector<16xi32>
      %broadcast_in_dim3A_594 = vector.broadcast %reduce_sum3A_593 : i32 to vector<16xi32>
      %select_n3A_595 = arith.select %eq3A_589, %broadcast_in_dim3A_594, %select_n3A_574 : vector<16xi1>, vector<16xi32>
      %eq3A_596 = arith.constant 3 : i32
      %eq3A_597 = vector.broadcast %eq3A_596 : i32 to vector<16xi32>
      %eq3A_598 = arith.cmpi eq, %select_n3A_532, %eq3A_597 : vector<16xi32>
      %convert_element_type3A_599 = arith.extui %eq3A_598 : vector<16xi1> to vector<16xi32>
      %broadcast_in_dim3A_600 = arith.constant true
      %broadcast_in_dim3A_601 = vector.broadcast %broadcast_in_dim3A_600 : i1 to vector<16xi1>
      %masked_cumsum3A_602 = tpu.scan <sum>, %convert_element_type3A_599 masked %broadcast_in_dim3A_601 : vector<16xi32>, vector<16xi1> -> vector<16xi32>
      %add3A_603 = arith.addi %select_n3A_586, %masked_cumsum3A_602 : vector<16xi32>
      %sub3A_604 = arith.constant 1 : i32
      %sub3A_605 = vector.broadcast %sub3A_604 : i32 to vector<16xi32>
      %sub3A_606 = arith.subi %add3A_603, %sub3A_605 : vector<16xi32>
      %select_n3A_607 = arith.select %eq3A_598, %sub3A_606, %select_n3A_586 : vector<16xi1>, vector<16xi32>
      %eq3A_608 = arith.constant 3 : i32
      %eq3A_609 = vector.broadcast %eq3A_608 : i32 to vector<16xi32>
      %eq3A_610 = arith.cmpi eq, %iota3A, %eq3A_609 : vector<16xi32>
      %reduce_sum3A_611 = arith.constant true
      %reduce_sum3A_612 = vector.broadcast %reduce_sum3A_611 : i1 to vector<16xi1>
      %reduce_sum3A_613 = tpu.scan <sum>, %convert_element_type3A_599 masked %reduce_sum3A_612 : vector<16xi32>, vector<16xi1> -> vector<16xi32>
      %reduce_sum3A_614 = vector.extract %reduce_sum3A_613[15] : i32 from vector<16xi32>
      %broadcast_in_dim3A_615 = vector.broadcast %reduce_sum3A_614 : i32 to vector<16xi32>
      %select_n3A_616 = arith.select %eq3A_610, %broadcast_in_dim3A_615, %select_n3A_595 : vector<16xi1>, vector<16xi32>
      %eq3A_617 = arith.constant 4 : i32
      %eq3A_618 = vector.broadcast %eq3A_617 : i32 to vector<16xi32>
      %eq3A_619 = arith.cmpi eq, %select_n3A_532, %eq3A_618 : vector<16xi32>
      %convert_element_type3A_620 = arith.extui %eq3A_619 : vector<16xi1> to vector<16xi32>
      %broadcast_in_dim3A_621 = arith.constant true
      %broadcast_in_dim3A_622 = vector.broadcast %broadcast_in_dim3A_621 : i1 to vector<16xi1>
      %masked_cumsum3A_623 = tpu.scan <sum>, %convert_element_type3A_620 masked %broadcast_in_dim3A_622 : vector<16xi32>, vector<16xi1> -> vector<16xi32>
      %add3A_624 = arith.addi %select_n3A_607, %masked_cumsum3A_623 : vector<16xi32>
      %sub3A_625 = arith.constant 1 : i32
      %sub3A_626 = vector.broadcast %sub3A_625 : i32 to vector<16xi32>
      %sub3A_627 = arith.subi %add3A_624, %sub3A_626 : vector<16xi32>
      %select_n3A_628 = arith.select %eq3A_619, %sub3A_627, %select_n3A_607 : vector<16xi1>, vector<16xi32>
      %eq3A_629 = arith.constant 4 : i32
      %eq3A_630 = vector.broadcast %eq3A_629 : i32 to vector<16xi32>
      %eq3A_631 = arith.cmpi eq, %iota3A, %eq3A_630 : vector<16xi32>
      %reduce_sum3A_632 = arith.constant true
      %reduce_sum3A_633 = vector.broadcast %reduce_sum3A_632 : i1 to vector<16xi1>
      %reduce_sum3A_634 = tpu.scan <sum>, %convert_element_type3A_620 masked %reduce_sum3A_633 : vector<16xi32>, vector<16xi1> -> vector<16xi32>
      %reduce_sum3A_635 = vector.extract %reduce_sum3A_634[15] : i32 from vector<16xi32>
      %broadcast_in_dim3A_636 = vector.broadcast %reduce_sum3A_635 : i32 to vector<16xi32>
      %select_n3A_637 = arith.select %eq3A_631, %broadcast_in_dim3A_636, %select_n3A_616 : vector<16xi1>, vector<16xi32>
      %eq3A_638 = arith.constant 5 : i32
      %eq3A_639 = vector.broadcast %eq3A_638 : i32 to vector<16xi32>
      %eq3A_640 = arith.cmpi eq, %select_n3A_532, %eq3A_639 : vector<16xi32>
      %convert_element_type3A_641 = arith.extui %eq3A_640 : vector<16xi1> to vector<16xi32>
      %broadcast_in_dim3A_642 = arith.constant true
      %broadcast_in_dim3A_643 = vector.broadcast %broadcast_in_dim3A_642 : i1 to vector<16xi1>
      %masked_cumsum3A_644 = tpu.scan <sum>, %convert_element_type3A_641 masked %broadcast_in_dim3A_643 : vector<16xi32>, vector<16xi1> -> vector<16xi32>
      %add3A_645 = arith.addi %select_n3A_628, %masked_cumsum3A_644 : vector<16xi32>
      %sub3A_646 = arith.constant 1 : i32
      %sub3A_647 = vector.broadcast %sub3A_646 : i32 to vector<16xi32>
      %sub3A_648 = arith.subi %add3A_645, %sub3A_647 : vector<16xi32>
      %select_n3A_649 = arith.select %eq3A_640, %sub3A_648, %select_n3A_628 : vector<16xi1>, vector<16xi32>
      %eq3A_650 = arith.constant 5 : i32
      %eq3A_651 = vector.broadcast %eq3A_650 : i32 to vector<16xi32>
      %eq3A_652 = arith.cmpi eq, %iota3A, %eq3A_651 : vector<16xi32>
      %reduce_sum3A_653 = arith.constant true
      %reduce_sum3A_654 = vector.broadcast %reduce_sum3A_653 : i1 to vector<16xi1>
      %reduce_sum3A_655 = tpu.scan <sum>, %convert_element_type3A_641 masked %reduce_sum3A_654 : vector<16xi32>, vector<16xi1> -> vector<16xi32>
      %reduce_sum3A_656 = vector.extract %reduce_sum3A_655[15] : i32 from vector<16xi32>
      %broadcast_in_dim3A_657 = vector.broadcast %reduce_sum3A_656 : i32 to vector<16xi32>
      %select_n3A_658 = arith.select %eq3A_652, %broadcast_in_dim3A_657, %select_n3A_637 : vector<16xi1>, vector<16xi32>
      %eq3A_659 = arith.constant 6 : i32
      %eq3A_660 = vector.broadcast %eq3A_659 : i32 to vector<16xi32>
      %eq3A_661 = arith.cmpi eq, %select_n3A_532, %eq3A_660 : vector<16xi32>
      %convert_element_type3A_662 = arith.extui %eq3A_661 : vector<16xi1> to vector<16xi32>
      %broadcast_in_dim3A_663 = arith.constant true
      %broadcast_in_dim3A_664 = vector.broadcast %broadcast_in_dim3A_663 : i1 to vector<16xi1>
      %masked_cumsum3A_665 = tpu.scan <sum>, %convert_element_type3A_662 masked %broadcast_in_dim3A_664 : vector<16xi32>, vector<16xi1> -> vector<16xi32>
      %add3A_666 = arith.addi %select_n3A_649, %masked_cumsum3A_665 : vector<16xi32>
      %sub3A_667 = arith.constant 1 : i32
      %sub3A_668 = vector.broadcast %sub3A_667 : i32 to vector<16xi32>
      %sub3A_669 = arith.subi %add3A_666, %sub3A_668 : vector<16xi32>
      %select_n3A_670 = arith.select %eq3A_661, %sub3A_669, %select_n3A_649 : vector<16xi1>, vector<16xi32>
      %eq3A_671 = arith.constant 6 : i32
      %eq3A_672 = vector.broadcast %eq3A_671 : i32 to vector<16xi32>
      %eq3A_673 = arith.cmpi eq, %iota3A, %eq3A_672 : vector<16xi32>
      %reduce_sum3A_674 = arith.constant true
      %reduce_sum3A_675 = vector.broadcast %reduce_sum3A_674 : i1 to vector<16xi1>
      %reduce_sum3A_676 = tpu.scan <sum>, %convert_element_type3A_662 masked %reduce_sum3A_675 : vector<16xi32>, vector<16xi1> -> vector<16xi32>
      %reduce_sum3A_677 = vector.extract %reduce_sum3A_676[15] : i32 from vector<16xi32>
      %broadcast_in_dim3A_678 = vector.broadcast %reduce_sum3A_677 : i32 to vector<16xi32>
      %select_n3A_679 = arith.select %eq3A_673, %broadcast_in_dim3A_678, %select_n3A_658 : vector<16xi1>, vector<16xi32>
      %eq3A_680 = arith.constant 7 : i32
      %eq3A_681 = vector.broadcast %eq3A_680 : i32 to vector<16xi32>
      %eq3A_682 = arith.cmpi eq, %select_n3A_532, %eq3A_681 : vector<16xi32>
      %convert_element_type3A_683 = arith.extui %eq3A_682 : vector<16xi1> to vector<16xi32>
      %broadcast_in_dim3A_684 = arith.constant true
      %broadcast_in_dim3A_685 = vector.broadcast %broadcast_in_dim3A_684 : i1 to vector<16xi1>
      %masked_cumsum3A_686 = tpu.scan <sum>, %convert_element_type3A_683 masked %broadcast_in_dim3A_685 : vector<16xi32>, vector<16xi1> -> vector<16xi32>
      %add3A_687 = arith.addi %select_n3A_670, %masked_cumsum3A_686 : vector<16xi32>
      %sub3A_688 = arith.constant 1 : i32
      %sub3A_689 = vector.broadcast %sub3A_688 : i32 to vector<16xi32>
      %sub3A_690 = arith.subi %add3A_687, %sub3A_689 : vector<16xi32>
      %select_n3A_691 = arith.select %eq3A_682, %sub3A_690, %select_n3A_670 : vector<16xi1>, vector<16xi32>
      %eq3A_692 = arith.constant 7 : i32
      %eq3A_693 = vector.broadcast %eq3A_692 : i32 to vector<16xi32>
      %eq3A_694 = arith.cmpi eq, %iota3A, %eq3A_693 : vector<16xi32>
      %reduce_sum3A_695 = arith.constant true
      %reduce_sum3A_696 = vector.broadcast %reduce_sum3A_695 : i1 to vector<16xi1>
      %reduce_sum3A_697 = tpu.scan <sum>, %convert_element_type3A_683 masked %reduce_sum3A_696 : vector<16xi32>, vector<16xi1> -> vector<16xi32>
      %reduce_sum3A_698 = vector.extract %reduce_sum3A_697[15] : i32 from vector<16xi32>
      %broadcast_in_dim3A_699 = vector.broadcast %reduce_sum3A_698 : i32 to vector<16xi32>
      %select_n3A_700 = arith.select %eq3A_694, %broadcast_in_dim3A_699, %select_n3A_679 : vector<16xi1>, vector<16xi32>
      %eq3A_701 = arith.constant 8 : i32
      %eq3A_702 = vector.broadcast %eq3A_701 : i32 to vector<16xi32>
      %eq3A_703 = arith.cmpi eq, %select_n3A_532, %eq3A_702 : vector<16xi32>
      %convert_element_type3A_704 = arith.extui %eq3A_703 : vector<16xi1> to vector<16xi32>
      %broadcast_in_dim3A_705 = arith.constant true
      %broadcast_in_dim3A_706 = vector.broadcast %broadcast_in_dim3A_705 : i1 to vector<16xi1>
      %masked_cumsum3A_707 = tpu.scan <sum>, %convert_element_type3A_704 masked %broadcast_in_dim3A_706 : vector<16xi32>, vector<16xi1> -> vector<16xi32>
      %add3A_708 = arith.addi %select_n3A_691, %masked_cumsum3A_707 : vector<16xi32>
      %sub3A_709 = arith.constant 1 : i32
      %sub3A_710 = vector.broadcast %sub3A_709 : i32 to vector<16xi32>
      %sub3A_711 = arith.subi %add3A_708, %sub3A_710 : vector<16xi32>
      %select_n3A_712 = arith.select %eq3A_703, %sub3A_711, %select_n3A_691 : vector<16xi1>, vector<16xi32>
      %eq3A_713 = arith.constant 8 : i32
      %eq3A_714 = vector.broadcast %eq3A_713 : i32 to vector<16xi32>
      %eq3A_715 = arith.cmpi eq, %iota3A, %eq3A_714 : vector<16xi32>
      %reduce_sum3A_716 = arith.constant true
      %reduce_sum3A_717 = vector.broadcast %reduce_sum3A_716 : i1 to vector<16xi1>
      %reduce_sum3A_718 = tpu.scan <sum>, %convert_element_type3A_704 masked %reduce_sum3A_717 : vector<16xi32>, vector<16xi1> -> vector<16xi32>
      %reduce_sum3A_719 = vector.extract %reduce_sum3A_718[15] : i32 from vector<16xi32>
      %broadcast_in_dim3A_720 = vector.broadcast %reduce_sum3A_719 : i32 to vector<16xi32>
      %select_n3A_721 = arith.select %eq3A_715, %broadcast_in_dim3A_720, %select_n3A_700 : vector<16xi1>, vector<16xi32>
      %eq3A_722 = arith.constant 9 : i32
      %eq3A_723 = vector.broadcast %eq3A_722 : i32 to vector<16xi32>
      %eq3A_724 = arith.cmpi eq, %select_n3A_532, %eq3A_723 : vector<16xi32>
      %convert_element_type3A_725 = arith.extui %eq3A_724 : vector<16xi1> to vector<16xi32>
      %broadcast_in_dim3A_726 = arith.constant true
      %broadcast_in_dim3A_727 = vector.broadcast %broadcast_in_dim3A_726 : i1 to vector<16xi1>
      %masked_cumsum3A_728 = tpu.scan <sum>, %convert_element_type3A_725 masked %broadcast_in_dim3A_727 : vector<16xi32>, vector<16xi1> -> vector<16xi32>
      %add3A_729 = arith.addi %select_n3A_712, %masked_cumsum3A_728 : vector<16xi32>
      %sub3A_730 = arith.constant 1 : i32
      %sub3A_731 = vector.broadcast %sub3A_730 : i32 to vector<16xi32>
      %sub3A_732 = arith.subi %add3A_729, %sub3A_731 : vector<16xi32>
      %select_n3A_733 = arith.select %eq3A_724, %sub3A_732, %select_n3A_712 : vector<16xi1>, vector<16xi32>
      %eq3A_734 = arith.constant 9 : i32
      %eq3A_735 = vector.broadcast %eq3A_734 : i32 to vector<16xi32>
      %eq3A_736 = arith.cmpi eq, %iota3A, %eq3A_735 : vector<16xi32>
      %reduce_sum3A_737 = arith.constant true
      %reduce_sum3A_738 = vector.broadcast %reduce_sum3A_737 : i1 to vector<16xi1>
      %reduce_sum3A_739 = tpu.scan <sum>, %convert_element_type3A_725 masked %reduce_sum3A_738 : vector<16xi32>, vector<16xi1> -> vector<16xi32>
      %reduce_sum3A_740 = vector.extract %reduce_sum3A_739[15] : i32 from vector<16xi32>
      %broadcast_in_dim3A_741 = vector.broadcast %reduce_sum3A_740 : i32 to vector<16xi32>
      %select_n3A_742 = arith.select %eq3A_736, %broadcast_in_dim3A_741, %select_n3A_721 : vector<16xi1>, vector<16xi32>
      %eq3A_743 = arith.constant 10 : i32
      %eq3A_744 = vector.broadcast %eq3A_743 : i32 to vector<16xi32>
      %eq3A_745 = arith.cmpi eq, %select_n3A_532, %eq3A_744 : vector<16xi32>
      %convert_element_type3A_746 = arith.extui %eq3A_745 : vector<16xi1> to vector<16xi32>
      %broadcast_in_dim3A_747 = arith.constant true
      %broadcast_in_dim3A_748 = vector.broadcast %broadcast_in_dim3A_747 : i1 to vector<16xi1>
      %masked_cumsum3A_749 = tpu.scan <sum>, %convert_element_type3A_746 masked %broadcast_in_dim3A_748 : vector<16xi32>, vector<16xi1> -> vector<16xi32>
      %add3A_750 = arith.addi %select_n3A_733, %masked_cumsum3A_749 : vector<16xi32>
      %sub3A_751 = arith.constant 1 : i32
      %sub3A_752 = vector.broadcast %sub3A_751 : i32 to vector<16xi32>
      %sub3A_753 = arith.subi %add3A_750, %sub3A_752 : vector<16xi32>
      %select_n3A_754 = arith.select %eq3A_745, %sub3A_753, %select_n3A_733 : vector<16xi1>, vector<16xi32>
      %eq3A_755 = arith.constant 10 : i32
      %eq3A_756 = vector.broadcast %eq3A_755 : i32 to vector<16xi32>
      %eq3A_757 = arith.cmpi eq, %iota3A, %eq3A_756 : vector<16xi32>
      %reduce_sum3A_758 = arith.constant true
      %reduce_sum3A_759 = vector.broadcast %reduce_sum3A_758 : i1 to vector<16xi1>
      %reduce_sum3A_760 = tpu.scan <sum>, %convert_element_type3A_746 masked %reduce_sum3A_759 : vector<16xi32>, vector<16xi1> -> vector<16xi32>
      %reduce_sum3A_761 = vector.extract %reduce_sum3A_760[15] : i32 from vector<16xi32>
      %broadcast_in_dim3A_762 = vector.broadcast %reduce_sum3A_761 : i32 to vector<16xi32>
      %select_n3A_763 = arith.select %eq3A_757, %broadcast_in_dim3A_762, %select_n3A_742 : vector<16xi1>, vector<16xi32>
      %eq3A_764 = arith.constant 11 : i32
      %eq3A_765 = vector.broadcast %eq3A_764 : i32 to vector<16xi32>
      %eq3A_766 = arith.cmpi eq, %select_n3A_532, %eq3A_765 : vector<16xi32>
      %convert_element_type3A_767 = arith.extui %eq3A_766 : vector<16xi1> to vector<16xi32>
      %broadcast_in_dim3A_768 = arith.constant true
      %broadcast_in_dim3A_769 = vector.broadcast %broadcast_in_dim3A_768 : i1 to vector<16xi1>
      %masked_cumsum3A_770 = tpu.scan <sum>, %convert_element_type3A_767 masked %broadcast_in_dim3A_769 : vector<16xi32>, vector<16xi1> -> vector<16xi32>
      %add3A_771 = arith.addi %select_n3A_754, %masked_cumsum3A_770 : vector<16xi32>
      %sub3A_772 = arith.constant 1 : i32
      %sub3A_773 = vector.broadcast %sub3A_772 : i32 to vector<16xi32>
      %sub3A_774 = arith.subi %add3A_771, %sub3A_773 : vector<16xi32>
      %select_n3A_775 = arith.select %eq3A_766, %sub3A_774, %select_n3A_754 : vector<16xi1>, vector<16xi32>
      %eq3A_776 = arith.constant 11 : i32
      %eq3A_777 = vector.broadcast %eq3A_776 : i32 to vector<16xi32>
      %eq3A_778 = arith.cmpi eq, %iota3A, %eq3A_777 : vector<16xi32>
      %reduce_sum3A_779 = arith.constant true
      %reduce_sum3A_780 = vector.broadcast %reduce_sum3A_779 : i1 to vector<16xi1>
      %reduce_sum3A_781 = tpu.scan <sum>, %convert_element_type3A_767 masked %reduce_sum3A_780 : vector<16xi32>, vector<16xi1> -> vector<16xi32>
      %reduce_sum3A_782 = vector.extract %reduce_sum3A_781[15] : i32 from vector<16xi32>
      %broadcast_in_dim3A_783 = vector.broadcast %reduce_sum3A_782 : i32 to vector<16xi32>
      %select_n3A_784 = arith.select %eq3A_778, %broadcast_in_dim3A_783, %select_n3A_763 : vector<16xi1>, vector<16xi32>
      %eq3A_785 = arith.constant 12 : i32
      %eq3A_786 = vector.broadcast %eq3A_785 : i32 to vector<16xi32>
      %eq3A_787 = arith.cmpi eq, %select_n3A_532, %eq3A_786 : vector<16xi32>
      %convert_element_type3A_788 = arith.extui %eq3A_787 : vector<16xi1> to vector<16xi32>
      %broadcast_in_dim3A_789 = arith.constant true
      %broadcast_in_dim3A_790 = vector.broadcast %broadcast_in_dim3A_789 : i1 to vector<16xi1>
      %masked_cumsum3A_791 = tpu.scan <sum>, %convert_element_type3A_788 masked %broadcast_in_dim3A_790 : vector<16xi32>, vector<16xi1> -> vector<16xi32>
      %add3A_792 = arith.addi %select_n3A_775, %masked_cumsum3A_791 : vector<16xi32>
      %sub3A_793 = arith.constant 1 : i32
      %sub3A_794 = vector.broadcast %sub3A_793 : i32 to vector<16xi32>
      %sub3A_795 = arith.subi %add3A_792, %sub3A_794 : vector<16xi32>
      %select_n3A_796 = arith.select %eq3A_787, %sub3A_795, %select_n3A_775 : vector<16xi1>, vector<16xi32>
      %eq3A_797 = arith.constant 12 : i32
      %eq3A_798 = vector.broadcast %eq3A_797 : i32 to vector<16xi32>
      %eq3A_799 = arith.cmpi eq, %iota3A, %eq3A_798 : vector<16xi32>
      %reduce_sum3A_800 = arith.constant true
      %reduce_sum3A_801 = vector.broadcast %reduce_sum3A_800 : i1 to vector<16xi1>
      %reduce_sum3A_802 = tpu.scan <sum>, %convert_element_type3A_788 masked %reduce_sum3A_801 : vector<16xi32>, vector<16xi1> -> vector<16xi32>
      %reduce_sum3A_803 = vector.extract %reduce_sum3A_802[15] : i32 from vector<16xi32>
      %broadcast_in_dim3A_804 = vector.broadcast %reduce_sum3A_803 : i32 to vector<16xi32>
      %select_n3A_805 = arith.select %eq3A_799, %broadcast_in_dim3A_804, %select_n3A_784 : vector<16xi1>, vector<16xi32>
      %eq3A_806 = arith.constant 13 : i32
      %eq3A_807 = vector.broadcast %eq3A_806 : i32 to vector<16xi32>
      %eq3A_808 = arith.cmpi eq, %select_n3A_532, %eq3A_807 : vector<16xi32>
      %convert_element_type3A_809 = arith.extui %eq3A_808 : vector<16xi1> to vector<16xi32>
      %broadcast_in_dim3A_810 = arith.constant true
      %broadcast_in_dim3A_811 = vector.broadcast %broadcast_in_dim3A_810 : i1 to vector<16xi1>
      %masked_cumsum3A_812 = tpu.scan <sum>, %convert_element_type3A_809 masked %broadcast_in_dim3A_811 : vector<16xi32>, vector<16xi1> -> vector<16xi32>
      %add3A_813 = arith.addi %select_n3A_796, %masked_cumsum3A_812 : vector<16xi32>
      %sub3A_814 = arith.constant 1 : i32
      %sub3A_815 = vector.broadcast %sub3A_814 : i32 to vector<16xi32>
      %sub3A_816 = arith.subi %add3A_813, %sub3A_815 : vector<16xi32>
      %select_n3A_817 = arith.select %eq3A_808, %sub3A_816, %select_n3A_796 : vector<16xi1>, vector<16xi32>
      %eq3A_818 = arith.constant 13 : i32
      %eq3A_819 = vector.broadcast %eq3A_818 : i32 to vector<16xi32>
      %eq3A_820 = arith.cmpi eq, %iota3A, %eq3A_819 : vector<16xi32>
      %reduce_sum3A_821 = arith.constant true
      %reduce_sum3A_822 = vector.broadcast %reduce_sum3A_821 : i1 to vector<16xi1>
      %reduce_sum3A_823 = tpu.scan <sum>, %convert_element_type3A_809 masked %reduce_sum3A_822 : vector<16xi32>, vector<16xi1> -> vector<16xi32>
      %reduce_sum3A_824 = vector.extract %reduce_sum3A_823[15] : i32 from vector<16xi32>
      %broadcast_in_dim3A_825 = vector.broadcast %reduce_sum3A_824 : i32 to vector<16xi32>
      %select_n3A_826 = arith.select %eq3A_820, %broadcast_in_dim3A_825, %select_n3A_805 : vector<16xi1>, vector<16xi32>
      %eq3A_827 = arith.constant 14 : i32
      %eq3A_828 = vector.broadcast %eq3A_827 : i32 to vector<16xi32>
      %eq3A_829 = arith.cmpi eq, %select_n3A_532, %eq3A_828 : vector<16xi32>
      %convert_element_type3A_830 = arith.extui %eq3A_829 : vector<16xi1> to vector<16xi32>
      %broadcast_in_dim3A_831 = arith.constant true
      %broadcast_in_dim3A_832 = vector.broadcast %broadcast_in_dim3A_831 : i1 to vector<16xi1>
      %masked_cumsum3A_833 = tpu.scan <sum>, %convert_element_type3A_830 masked %broadcast_in_dim3A_832 : vector<16xi32>, vector<16xi1> -> vector<16xi32>
      %add3A_834 = arith.addi %select_n3A_817, %masked_cumsum3A_833 : vector<16xi32>
      %sub3A_835 = arith.constant 1 : i32
      %sub3A_836 = vector.broadcast %sub3A_835 : i32 to vector<16xi32>
      %sub3A_837 = arith.subi %add3A_834, %sub3A_836 : vector<16xi32>
      %select_n3A_838 = arith.select %eq3A_829, %sub3A_837, %select_n3A_817 : vector<16xi1>, vector<16xi32>
      %eq3A_839 = arith.constant 14 : i32
      %eq3A_840 = vector.broadcast %eq3A_839 : i32 to vector<16xi32>
      %eq3A_841 = arith.cmpi eq, %iota3A, %eq3A_840 : vector<16xi32>
      %reduce_sum3A_842 = arith.constant true
      %reduce_sum3A_843 = vector.broadcast %reduce_sum3A_842 : i1 to vector<16xi1>
      %reduce_sum3A_844 = tpu.scan <sum>, %convert_element_type3A_830 masked %reduce_sum3A_843 : vector<16xi32>, vector<16xi1> -> vector<16xi32>
      %reduce_sum3A_845 = vector.extract %reduce_sum3A_844[15] : i32 from vector<16xi32>
      %broadcast_in_dim3A_846 = vector.broadcast %reduce_sum3A_845 : i32 to vector<16xi32>
      %select_n3A_847 = arith.select %eq3A_841, %broadcast_in_dim3A_846, %select_n3A_826 : vector<16xi1>, vector<16xi32>
      %eq3A_848 = arith.constant 15 : i32
      %eq3A_849 = vector.broadcast %eq3A_848 : i32 to vector<16xi32>
      %eq3A_850 = arith.cmpi eq, %select_n3A_532, %eq3A_849 : vector<16xi32>
      %convert_element_type3A_851 = arith.extui %eq3A_850 : vector<16xi1> to vector<16xi32>
      %broadcast_in_dim3A_852 = arith.constant true
      %broadcast_in_dim3A_853 = vector.broadcast %broadcast_in_dim3A_852 : i1 to vector<16xi1>
      %masked_cumsum3A_854 = tpu.scan <sum>, %convert_element_type3A_851 masked %broadcast_in_dim3A_853 : vector<16xi32>, vector<16xi1> -> vector<16xi32>
      %add3A_855 = arith.addi %select_n3A_838, %masked_cumsum3A_854 : vector<16xi32>
      %sub3A_856 = arith.constant 1 : i32
      %sub3A_857 = vector.broadcast %sub3A_856 : i32 to vector<16xi32>
      %sub3A_858 = arith.subi %add3A_855, %sub3A_857 : vector<16xi32>
      %select_n3A_859 = arith.select %eq3A_850, %sub3A_858, %select_n3A_838 : vector<16xi1>, vector<16xi32>
      %eq3A_860 = arith.constant 15 : i32
      %eq3A_861 = vector.broadcast %eq3A_860 : i32 to vector<16xi32>
      %eq3A_862 = arith.cmpi eq, %iota3A, %eq3A_861 : vector<16xi32>
      %reduce_sum3A_863 = arith.constant true
      %reduce_sum3A_864 = vector.broadcast %reduce_sum3A_863 : i1 to vector<16xi1>
      %reduce_sum3A_865 = tpu.scan <sum>, %convert_element_type3A_851 masked %reduce_sum3A_864 : vector<16xi32>, vector<16xi1> -> vector<16xi32>
      %reduce_sum3A_866 = vector.extract %reduce_sum3A_865[15] : i32 from vector<16xi32>
      %broadcast_in_dim3A_867 = vector.broadcast %reduce_sum3A_866 : i32 to vector<16xi32>
      %select_n3A_868 = arith.select %eq3A_862, %broadcast_in_dim3A_867, %select_n3A_847 : vector<16xi1>, vector<16xi32>
      %get3A_869 = arith.constant 0 : index
      %get3A_870 = tpu.vector_load %arg9[%get3A_869] {strides = array<i32>} : memref<16xi32, #tpu.memory_space<vmem>>, vector<16xi32>,
      %add3A_871 = arith.addi %get3A_870, %select_n3A_868 : vector<16xi32>
      %swap3A_872 = arith.constant 0 : index
      %swap3A_873 = tpu.vector_load %arg9[%swap3A_872] {strides = array<i32>} : memref<16xi32, #tpu.memory_space<vmem>>, vector<16xi32>,
      tpu.vector_store %arg9[%swap3A_872], %add3A_871 {strides = array<i32>} : memref<16xi32, #tpu.memory_space<vmem>>, vector<16xi32>,
      %swap3A_874 = arith.index_cast %mul3A_383 : i32 to index
      %swap3A_875 = tpu.vector_load %arg7[%swap3A_874] {strides = array<i32>} : memref<512xi32, #tpu.memory_space<vmem>>, vector<16xi32>,
      tpu.vector_store %arg7[%swap3A_874], %select_n3A_532 {strides = array<i32>} : memref<512xi32, #tpu.memory_space<vmem>>, vector<16xi32>,
      %add3A_876 = arith.addi %gather3A_533, %select_n3A_859 : vector<16xi32>
      %swap3A_877 = arith.index_cast %mul3A_383 : i32 to index
      %swap3A_878 = tpu.vector_load %arg8[%swap3A_877] {strides = array<i32>} : memref<512xi32, #tpu.memory_space<vmem>>, vector<16xi32>,
      tpu.vector_store %arg8[%swap3A_877], %add3A_876 {strides = array<i32>} : memref<512xi32, #tpu.memory_space<vmem>>, vector<16xi32>,
      %scan3A_879 = arith.constant 0 : i32
      scf.yield %scan3A_879 : i32
    }
    %scan3A_10 = arith.constant 32 : i32
    %mul3A_11 = arith.constant 16 : i32
    %mul3A_12 = arith.muli %arg1, %mul3A_11 : i32
    "tpu.region"() ({
      %run_scoped3A = tpu.sem_alloc : memref<!tpu.dma_semaphore, #tpu.memory_space<semaphore_mem>>
      %dma_start3A = tpu.memref_slice %arg19[%mul3A_12] : memref<256xi32, #tpu.memory_space<vmem_shared>> -> memref<16xi32, #tpu.memory_space<vmem_shared>>
      %dma_start3A_380 = tpu.memref_slice %arg19[%mul3A_12] : memref<256xi32, #tpu.memory_space<vmem_shared>> -> memref<16xi32, #tpu.memory_space<vmem_shared>>
      tpu.enqueue_dma source(%arg9 : memref<16xi32, #tpu.memory_space<vmem>>) target(%dma_start3A_380 : memref<16xi32, #tpu.memory_space<vmem_shared>>) target_semaphore(%run_scoped3A : memref<!tpu.dma_semaphore, #tpu.memory_space<semaphore_mem>>)
      %dma_wait3A = tpu.memref_slice %arg19[%mul3A_12] : memref<256xi32, #tpu.memory_space<vmem_shared>> -> memref<16xi32, #tpu.memory_space<vmem_shared>>
      %dma_wait3A_381 = tpu.memref_slice %arg19[%mul3A_12] : memref<256xi32, #tpu.memory_space<vmem_shared>> -> memref<16xi32, #tpu.memory_space<vmem_shared>>
      tpu.wait_dma2 semaphore(%run_scoped3A : memref<!tpu.dma_semaphore, #tpu.memory_space<semaphore_mem>>) src(%arg9 : memref<16xi32, #tpu.memory_space<vmem>>) dst(%dma_wait3A_381 : memref<16xi32, #tpu.memory_space<vmem_shared>>)
      tpu.yield
    }) : () -> ()
    %barrier3A = arith.constant 0 : index
    tpu.barrier barrier_id(%barrier3A)
    "tpu.region"() ({
      %run_scoped3A = tpu.sem_alloc : memref<!tpu.dma_semaphore, #tpu.memory_space<semaphore_mem>>
      tpu.enqueue_dma source(%arg19 : memref<256xi32, #tpu.memory_space<vmem_shared>>) target(%arg11 : memref<256xi32, #tpu.memory_space<vmem>>) target_semaphore(%run_scoped3A : memref<!tpu.dma_semaphore, #tpu.memory_space<semaphore_mem>>)
      tpu.wait_dma2 semaphore(%run_scoped3A : memref<!tpu.dma_semaphore, #tpu.memory_space<semaphore_mem>>) src(%arg19 : memref<256xi32, #tpu.memory_space<vmem_shared>>) dst(%arg11 : memref<256xi32, #tpu.memory_space<vmem>>)
      tpu.yield
    }) : () -> ()
    %broadcast_in_dim3A_13 = vector.broadcast %arg1 : i32 to vector<16xi32>
    %get3A = arith.constant 0 : index
    %get3A_14 = tpu.vector_load %arg11[%get3A] {strides = array<i32>} : memref<256xi32, #tpu.memory_space<vmem>>, vector<16xi32>,
    %gt3A = arith.constant 0 : i32
    %gt3A_15 = vector.broadcast %gt3A : i32 to vector<16xi32>
    %gt3A_16 = arith.cmpi sgt, %broadcast_in_dim3A_13, %gt3A_15 : vector<16xi32>
    %select_n3A = arith.select %gt3A_16, %get3A_14, %broadcast_in_dim3A_0 : vector<16xi1>, vector<16xi32>
    %add3A = arith.addi %broadcast_in_dim3A_0, %select_n3A : vector<16xi32>
    %add3A_17 = arith.addi %broadcast_in_dim3A_0, %get3A_14 : vector<16xi32>
    %get3A_18 = arith.constant 16 : index
    %get3A_19 = tpu.vector_load %arg11[%get3A_18] {strides = array<i32>} : memref<256xi32, #tpu.memory_space<vmem>>, vector<16xi32>,
    %gt3A_20 = arith.constant 1 : i32
    %gt3A_21 = vector.broadcast %gt3A_20 : i32 to vector<16xi32>
    %gt3A_22 = arith.cmpi sgt, %broadcast_in_dim3A_13, %gt3A_21 : vector<16xi32>
    %select_n3A_23 = arith.select %gt3A_22, %get3A_19, %broadcast_in_dim3A_0 : vector<16xi1>, vector<16xi32>
    %add3A_24 = arith.addi %add3A, %select_n3A_23 : vector<16xi32>
    %add3A_25 = arith.addi %add3A_17, %get3A_19 : vector<16xi32>
    %get3A_26 = arith.constant 32 : index
    %get3A_27 = tpu.vector_load %arg11[%get3A_26] {strides = array<i32>} : memref<256xi32, #tpu.memory_space<vmem>>, vector<16xi32>,
    %gt3A_28 = arith.constant 2 : i32
    %gt3A_29 = vector.broadcast %gt3A_28 : i32 to vector<16xi32>
    %gt3A_30 = arith.cmpi sgt, %broadcast_in_dim3A_13, %gt3A_29 : vector<16xi32>
    %select_n3A_31 = arith.select %gt3A_30, %get3A_27, %broadcast_in_dim3A_0 : vector<16xi1>, vector<16xi32>
    %add3A_32 = arith.addi %add3A_24, %select_n3A_31 : vector<16xi32>
    %add3A_33 = arith.addi %add3A_25, %get3A_27 : vector<16xi32>
    %get3A_34 = arith.constant 48 : index
    %get3A_35 = tpu.vector_load %arg11[%get3A_34] {strides = array<i32>} : memref<256xi32, #tpu.memory_space<vmem>>, vector<16xi32>,
    %gt3A_36 = arith.constant 3 : i32
    %gt3A_37 = vector.broadcast %gt3A_36 : i32 to vector<16xi32>
    %gt3A_38 = arith.cmpi sgt, %broadcast_in_dim3A_13, %gt3A_37 : vector<16xi32>
    %select_n3A_39 = arith.select %gt3A_38, %get3A_35, %broadcast_in_dim3A_0 : vector<16xi1>, vector<16xi32>
    %add3A_40 = arith.addi %add3A_32, %select_n3A_39 : vector<16xi32>
    %add3A_41 = arith.addi %add3A_33, %get3A_35 : vector<16xi32>
    %get3A_42 = arith.constant 64 : index
    %get3A_43 = tpu.vector_load %arg11[%get3A_42] {strides = array<i32>} : memref<256xi32, #tpu.memory_space<vmem>>, vector<16xi32>,
    %gt3A_44 = arith.constant 4 : i32
    %gt3A_45 = vector.broadcast %gt3A_44 : i32 to vector<16xi32>
    %gt3A_46 = arith.cmpi sgt, %broadcast_in_dim3A_13, %gt3A_45 : vector<16xi32>
    %select_n3A_47 = arith.select %gt3A_46, %get3A_43, %broadcast_in_dim3A_0 : vector<16xi1>, vector<16xi32>
    %add3A_48 = arith.addi %add3A_40, %select_n3A_47 : vector<16xi32>
    %add3A_49 = arith.addi %add3A_41, %get3A_43 : vector<16xi32>
    %get3A_50 = arith.constant 80 : index
    %get3A_51 = tpu.vector_load %arg11[%get3A_50] {strides = array<i32>} : memref<256xi32, #tpu.memory_space<vmem>>, vector<16xi32>,
    %gt3A_52 = arith.constant 5 : i32
    %gt3A_53 = vector.broadcast %gt3A_52 : i32 to vector<16xi32>
    %gt3A_54 = arith.cmpi sgt, %broadcast_in_dim3A_13, %gt3A_53 : vector<16xi32>
    %select_n3A_55 = arith.select %gt3A_54, %get3A_51, %broadcast_in_dim3A_0 : vector<16xi1>, vector<16xi32>
    %add3A_56 = arith.addi %add3A_48, %select_n3A_55 : vector<16xi32>
    %add3A_57 = arith.addi %add3A_49, %get3A_51 : vector<16xi32>
    %get3A_58 = arith.constant 96 : index
    %get3A_59 = tpu.vector_load %arg11[%get3A_58] {strides = array<i32>} : memref<256xi32, #tpu.memory_space<vmem>>, vector<16xi32>,
    %gt3A_60 = arith.constant 6 : i32
    %gt3A_61 = vector.broadcast %gt3A_60 : i32 to vector<16xi32>
    %gt3A_62 = arith.cmpi sgt, %broadcast_in_dim3A_13, %gt3A_61 : vector<16xi32>
    %select_n3A_63 = arith.select %gt3A_62, %get3A_59, %broadcast_in_dim3A_0 : vector<16xi1>, vector<16xi32>
    %add3A_64 = arith.addi %add3A_56, %select_n3A_63 : vector<16xi32>
    %add3A_65 = arith.addi %add3A_57, %get3A_59 : vector<16xi32>
    %get3A_66 = arith.constant 112 : index
    %get3A_67 = tpu.vector_load %arg11[%get3A_66] {strides = array<i32>} : memref<256xi32, #tpu.memory_space<vmem>>, vector<16xi32>,
    %gt3A_68 = arith.constant 7 : i32
    %gt3A_69 = vector.broadcast %gt3A_68 : i32 to vector<16xi32>
    %gt3A_70 = arith.cmpi sgt, %broadcast_in_dim3A_13, %gt3A_69 : vector<16xi32>
    %select_n3A_71 = arith.select %gt3A_70, %get3A_67, %broadcast_in_dim3A_0 : vector<16xi1>, vector<16xi32>
    %add3A_72 = arith.addi %add3A_64, %select_n3A_71 : vector<16xi32>
    %add3A_73 = arith.addi %add3A_65, %get3A_67 : vector<16xi32>
    %get3A_74 = arith.constant 128 : index
    %get3A_75 = tpu.vector_load %arg11[%get3A_74] {strides = array<i32>} : memref<256xi32, #tpu.memory_space<vmem>>, vector<16xi32>,
    %gt3A_76 = arith.constant 8 : i32
    %gt3A_77 = vector.broadcast %gt3A_76 : i32 to vector<16xi32>
    %gt3A_78 = arith.cmpi sgt, %broadcast_in_dim3A_13, %gt3A_77 : vector<16xi32>
    %select_n3A_79 = arith.select %gt3A_78, %get3A_75, %broadcast_in_dim3A_0 : vector<16xi1>, vector<16xi32>
    %add3A_80 = arith.addi %add3A_72, %select_n3A_79 : vector<16xi32>
    %add3A_81 = arith.addi %add3A_73, %get3A_75 : vector<16xi32>
    %get3A_82 = arith.constant 144 : index
    %get3A_83 = tpu.vector_load %arg11[%get3A_82] {strides = array<i32>} : memref<256xi32, #tpu.memory_space<vmem>>, vector<16xi32>,
    %gt3A_84 = arith.constant 9 : i32
    %gt3A_85 = vector.broadcast %gt3A_84 : i32 to vector<16xi32>
    %gt3A_86 = arith.cmpi sgt, %broadcast_in_dim3A_13, %gt3A_85 : vector<16xi32>
    %select_n3A_87 = arith.select %gt3A_86, %get3A_83, %broadcast_in_dim3A_0 : vector<16xi1>, vector<16xi32>
    %add3A_88 = arith.addi %add3A_80, %select_n3A_87 : vector<16xi32>
    %add3A_89 = arith.addi %add3A_81, %get3A_83 : vector<16xi32>
    %get3A_90 = arith.constant 160 : index
    %get3A_91 = tpu.vector_load %arg11[%get3A_90] {strides = array<i32>} : memref<256xi32, #tpu.memory_space<vmem>>, vector<16xi32>,
    %gt3A_92 = arith.constant 10 : i32
    %gt3A_93 = vector.broadcast %gt3A_92 : i32 to vector<16xi32>
    %gt3A_94 = arith.cmpi sgt, %broadcast_in_dim3A_13, %gt3A_93 : vector<16xi32>
    %select_n3A_95 = arith.select %gt3A_94, %get3A_91, %broadcast_in_dim3A_0 : vector<16xi1>, vector<16xi32>
    %add3A_96 = arith.addi %add3A_88, %select_n3A_95 : vector<16xi32>
    %add3A_97 = arith.addi %add3A_89, %get3A_91 : vector<16xi32>
    %get3A_98 = arith.constant 176 : index
    %get3A_99 = tpu.vector_load %arg11[%get3A_98] {strides = array<i32>} : memref<256xi32, #tpu.memory_space<vmem>>, vector<16xi32>,
    %gt3A_100 = arith.constant 11 : i32
    %gt3A_101 = vector.broadcast %gt3A_100 : i32 to vector<16xi32>
    %gt3A_102 = arith.cmpi sgt, %broadcast_in_dim3A_13, %gt3A_101 : vector<16xi32>
    %select_n3A_103 = arith.select %gt3A_102, %get3A_99, %broadcast_in_dim3A_0 : vector<16xi1>, vector<16xi32>
    %add3A_104 = arith.addi %add3A_96, %select_n3A_103 : vector<16xi32>
    %add3A_105 = arith.addi %add3A_97, %get3A_99 : vector<16xi32>
    %get3A_106 = arith.constant 192 : index
    %get3A_107 = tpu.vector_load %arg11[%get3A_106] {strides = array<i32>} : memref<256xi32, #tpu.memory_space<vmem>>, vector<16xi32>,
    %gt3A_108 = arith.constant 12 : i32
    %gt3A_109 = vector.broadcast %gt3A_108 : i32 to vector<16xi32>
    %gt3A_110 = arith.cmpi sgt, %broadcast_in_dim3A_13, %gt3A_109 : vector<16xi32>
    %select_n3A_111 = arith.select %gt3A_110, %get3A_107, %broadcast_in_dim3A_0 : vector<16xi1>, vector<16xi32>
    %add3A_112 = arith.addi %add3A_104, %select_n3A_111 : vector<16xi32>
    %add3A_113 = arith.addi %add3A_105, %get3A_107 : vector<16xi32>
    %get3A_114 = arith.constant 208 : index
    %get3A_115 = tpu.vector_load %arg11[%get3A_114] {strides = array<i32>} : memref<256xi32, #tpu.memory_space<vmem>>, vector<16xi32>,
    %gt3A_116 = arith.constant 13 : i32
    %gt3A_117 = vector.broadcast %gt3A_116 : i32 to vector<16xi32>
    %gt3A_118 = arith.cmpi sgt, %broadcast_in_dim3A_13, %gt3A_117 : vector<16xi32>
    %select_n3A_119 = arith.select %gt3A_118, %get3A_115, %broadcast_in_dim3A_0 : vector<16xi1>, vector<16xi32>
    %add3A_120 = arith.addi %add3A_112, %select_n3A_119 : vector<16xi32>
    %add3A_121 = arith.addi %add3A_113, %get3A_115 : vector<16xi32>
    %get3A_122 = arith.constant 224 : index
    %get3A_123 = tpu.vector_load %arg11[%get3A_122] {strides = array<i32>} : memref<256xi32, #tpu.memory_space<vmem>>, vector<16xi32>,
    %gt3A_124 = arith.constant 14 : i32
    %gt3A_125 = vector.broadcast %gt3A_124 : i32 to vector<16xi32>
    %gt3A_126 = arith.cmpi sgt, %broadcast_in_dim3A_13, %gt3A_125 : vector<16xi32>
    %select_n3A_127 = arith.select %gt3A_126, %get3A_123, %broadcast_in_dim3A_0 : vector<16xi1>, vector<16xi32>
    %add3A_128 = arith.addi %add3A_120, %select_n3A_127 : vector<16xi32>
    %add3A_129 = arith.addi %add3A_121, %get3A_123 : vector<16xi32>
    %get3A_130 = arith.constant 240 : index
    %get3A_131 = tpu.vector_load %arg11[%get3A_130] {strides = array<i32>} : memref<256xi32, #tpu.memory_space<vmem>>, vector<16xi32>,
    %gt3A_132 = arith.constant 15 : i32
    %gt3A_133 = vector.broadcast %gt3A_132 : i32 to vector<16xi32>
    %gt3A_134 = arith.cmpi sgt, %broadcast_in_dim3A_13, %gt3A_133 : vector<16xi32>
    %select_n3A_135 = arith.select %gt3A_134, %get3A_131, %broadcast_in_dim3A_0 : vector<16xi1>, vector<16xi32>
    %add3A_136 = arith.addi %add3A_128, %select_n3A_135 : vector<16xi32>
    %add3A_137 = arith.addi %add3A_129, %get3A_131 : vector<16xi32>
    %swap3A_138 = arith.constant 0 : index
    %swap3A_139 = tpu.vector_load %arg10[%swap3A_138] {strides = array<i32>} : memref<16xi32, #tpu.memory_space<vmem>>, vector<16xi32>,
    tpu.vector_store %arg10[%swap3A_138], %add3A_136 {strides = array<i32>} : memref<16xi32, #tpu.memory_space<vmem>>, vector<16xi32>,
    %scan3A_140 = arith.constant 0 : i32
    %scan3A_141 = arith.constant 0 : i32
    %scan3A_142 = arith.constant 32 : i32
    %scan3A_143 = arith.addi %scan3A_141, %scan3A_142 : i32
    %scan3A_144 = arith.constant 1 : i32
    %scan3A_145 = scf.for %scan3A_380 = %scan3A_141 to %scan3A_143 step %scan3A_144 iter_args(%scan3A_381 = %scan3A_140) -> (i32)  : i32 {
      %mul3A_382 = arith.constant 16 : i32
      %mul3A_383 = arith.muli %scan3A_380, %mul3A_382 : i32
      %get3A_384 = arith.index_cast %mul3A_383 : i32 to index
      %get3A_385 = tpu.vector_load %arg7[%get3A_384] {strides = array<i32>} : memref<512xi32, #tpu.memory_space<vmem>>, vector<16xi32>,
      %get3A_386 = arith.index_cast %mul3A_383 : i32 to index
      %get3A_387 = tpu.vector_load %arg8[%get3A_386] {strides = array<i32>} : memref<512xi32, #tpu.memory_space<vmem>>, vector<16xi32>,
      %gather3A = tpu.vector_load_idx %arg10[%get3A_385] : memref<16xi32, #tpu.memory_space<vmem>>[vector<16xi32>], vector<16xi32>,
      %add3A_388 = arith.addi %get3A_387, %gather3A : vector<16xi32>
      %swap3A_389 = arith.index_cast %mul3A_383 : i32 to index
      %swap3A_390 = tpu.vector_load %arg8[%swap3A_389] {strides = array<i32>} : memref<512xi32, #tpu.memory_space<vmem>>, vector<16xi32>,
      tpu.vector_store %arg8[%swap3A_389], %add3A_388 {strides = array<i32>} : memref<512xi32, #tpu.memory_space<vmem>>, vector<16xi32>,
      %scan3A_391 = arith.constant 0 : i32
      scf.yield %scan3A_391 : i32
    }
    %scan3A_146 = arith.constant 32 : i32
    "tpu.region"() ({
      %run_scoped3A = tpu.sem_alloc : memref<!tpu.dma_semaphore, #tpu.memory_space<semaphore_mem>>
      %dma_start3A = tpu.memref_slice %arg20[%mul3A_1] : memref<8192xi32, #tpu.memory_space<vmem_shared>> -> memref<512xi32, #tpu.memory_space<vmem_shared>>
      %dma_start3A_380 = tpu.memref_slice %arg20[%mul3A_1] : memref<8192xi32, #tpu.memory_space<vmem_shared>> -> memref<512xi32, #tpu.memory_space<vmem_shared>>
      tpu.enqueue_dma source(%arg7 : memref<512xi32, #tpu.memory_space<vmem>>) target(%dma_start3A_380 : memref<512xi32, #tpu.memory_space<vmem_shared>>) target_semaphore(%run_scoped3A : memref<!tpu.dma_semaphore, #tpu.memory_space<semaphore_mem>>)
      %dma_wait3A = tpu.memref_slice %arg20[%mul3A_1] : memref<8192xi32, #tpu.memory_space<vmem_shared>> -> memref<512xi32, #tpu.memory_space<vmem_shared>>
      %dma_wait3A_381 = tpu.memref_slice %arg20[%mul3A_1] : memref<8192xi32, #tpu.memory_space<vmem_shared>> -> memref<512xi32, #tpu.memory_space<vmem_shared>>
      tpu.wait_dma2 semaphore(%run_scoped3A : memref<!tpu.dma_semaphore, #tpu.memory_space<semaphore_mem>>) src(%arg7 : memref<512xi32, #tpu.memory_space<vmem>>) dst(%dma_wait3A_381 : memref<512xi32, #tpu.memory_space<vmem_shared>>)
      tpu.yield
    }) : () -> ()
    "tpu.region"() ({
      %run_scoped3A = tpu.sem_alloc : memref<!tpu.dma_semaphore, #tpu.memory_space<semaphore_mem>>
      %dma_start3A = tpu.memref_slice %arg21[%mul3A_1] : memref<8192xi32, #tpu.memory_space<vmem_shared>> -> memref<512xi32, #tpu.memory_space<vmem_shared>>
      %dma_start3A_380 = tpu.memref_slice %arg21[%mul3A_1] : memref<8192xi32, #tpu.memory_space<vmem_shared>> -> memref<512xi32, #tpu.memory_space<vmem_shared>>
      tpu.enqueue_dma source(%arg8 : memref<512xi32, #tpu.memory_space<vmem>>) target(%dma_start3A_380 : memref<512xi32, #tpu.memory_space<vmem_shared>>) target_semaphore(%run_scoped3A : memref<!tpu.dma_semaphore, #tpu.memory_space<semaphore_mem>>)
      %dma_wait3A = tpu.memref_slice %arg21[%mul3A_1] : memref<8192xi32, #tpu.memory_space<vmem_shared>> -> memref<512xi32, #tpu.memory_space<vmem_shared>>
      %dma_wait3A_381 = tpu.memref_slice %arg21[%mul3A_1] : memref<8192xi32, #tpu.memory_space<vmem_shared>> -> memref<512xi32, #tpu.memory_space<vmem_shared>>
      tpu.wait_dma2 semaphore(%run_scoped3A : memref<!tpu.dma_semaphore, #tpu.memory_space<semaphore_mem>>) src(%arg8 : memref<512xi32, #tpu.memory_space<vmem>>) dst(%dma_wait3A_381 : memref<512xi32, #tpu.memory_space<vmem_shared>>)
      tpu.yield
    }) : () -> ()
    %reduce_max3A = arith.constant true
    %reduce_max3A_147 = vector.broadcast %reduce_max3A : i1 to vector<16xi1>
    %reduce_max3A_148 = arith.constant -2147483648 : i32
    %reduce_max3A_149 = vector.broadcast %reduce_max3A_148 : i32 to vector<16xi32>
    %reduce_max3A_150 = arith.xori %add3A_137, %reduce_max3A_149 : vector<16xi32>
    %reduce_max3A_151 = tpu.scan <max>, %reduce_max3A_150 masked %reduce_max3A_147 : vector<16xi32>, vector<16xi1> -> vector<16xi32>
    %reduce_max3A_152 = arith.xori %reduce_max3A_151, %reduce_max3A_149 : vector<16xi32>
    %reduce_max3A_153 = vector.extract %reduce_max3A_152[15] : i32 from vector<16xi32>
    %le3A = arith.constant 128 : i32
    %le3A_154 = arith.cmpi sle, %reduce_max3A_153, %le3A : i32
    %le3A_155 = arith.constant 256 : i32
    %le3A_156 = arith.cmpi sle, %reduce_max3A_153, %le3A_155 : i32
    %le3A_157 = arith.constant 512 : i32
    %le3A_158 = arith.cmpi sle, %reduce_max3A_153, %le3A_157 : i32
    %jit3A = arith.constant 512 : i32
    %jit3A_159 = arith.constant 1024 : i32
    %select_n3A_160 = arith.select %le3A_158, %jit3A, %jit3A_159 : i32
    %jit3A_161 = arith.constant 256 : i32
    %select_n3A_162 = arith.select %le3A_156, %jit3A_161, %select_n3A_160 : i32
    %jit3A_163 = arith.constant 128 : i32
    %select_n3A_164 = arith.select %le3A_154, %jit3A_163, %select_n3A_162 : i32
    %min3A = vector.broadcast %select_n3A_164 : i32 to vector<16xi32>
    %min3A_165 = arith.minsi %add3A_137, %min3A : vector<16xi32>
    %barrier3A_166 = arith.constant 0 : index
    tpu.barrier barrier_id(%barrier3A_166)
    %mul3A_167 = arith.constant 16 : i32
    %mul3A_168 = arith.muli %arg0, %mul3A_167 : i32
    %add3A_169 = arith.addi %mul3A_168, %arg1 : i32
    %mul3A_170 = arith.constant 512 : i32
    %mul3A_171 = arith.muli %add3A_169, %mul3A_170 : i32
    %jit3A_172 = arith.constant 2 : i32
    %div3A = arith.divsi %add3A_169, %jit3A_172 : i32
    %sign3A = arith.constant 0 : i32
    %sign3A_173 = arith.cmpi sgt, %add3A_169, %sign3A : i32
    %sign3A_174 = arith.extui %sign3A_173 : i1 to i32
    %sign3A_175 = arith.constant 0 : i32
    %sign3A_176 = arith.cmpi slt, %add3A_169, %sign3A_175 : i32
    %sign3A_177 = arith.extui %sign3A_176 : i1 to i32
    %sign3A_178 = arith.subi %sign3A_174, %sign3A_177 : i32
    %sign3A_179 = arith.constant 0 : i32
    %sign3A_180 = arith.cmpi sgt, %jit3A_172, %sign3A_179 : i32
    %sign3A_181 = arith.extui %sign3A_180 : i1 to i32
    %sign3A_182 = arith.constant 0 : i32
    %sign3A_183 = arith.cmpi slt, %jit3A_172, %sign3A_182 : i32
    %sign3A_184 = arith.extui %sign3A_183 : i1 to i32
    %sign3A_185 = arith.subi %sign3A_181, %sign3A_184 : i32
    %ne3A = arith.cmpi ne, %sign3A_178, %sign3A_185 : i32
    %rem3A = arith.remsi %add3A_169, %jit3A_172 : i32
    %ne3A_186 = arith.constant 0 : i32
    %ne3A_187 = arith.cmpi ne, %rem3A, %ne3A_186 : i32
    %and3A = arith.andi %ne3A, %ne3A_187 : i1
    %sub3A = arith.constant 1 : i32
    %sub3A_188 = arith.subi %div3A, %sub3A : i32
    %select_n3A_189 = arith.select %and3A, %sub3A_188, %div3A : i32
    %jit3A_190 = arith.constant 2 : i32
    %eq3A = arith.constant 0 : i32
    %eq3A_191 = arith.cmpi eq, %jit3A_190, %eq3A : i32
    %jit3A_192 = arith.constant 1 : i32
    %select_n3A_193 = arith.select %eq3A_191, %jit3A_192, %jit3A_190 : i32
    %rem3A_194 = arith.remsi %add3A_169, %select_n3A_193 : i32
    %ne3A_195 = arith.constant 0 : i32
    %ne3A_196 = arith.cmpi ne, %rem3A_194, %ne3A_195 : i32
    %lt3A = arith.constant 0 : i32
    %lt3A_197 = arith.cmpi slt, %rem3A_194, %lt3A : i32
    %lt3A_198 = arith.constant 0 : i32
    %lt3A_199 = arith.cmpi slt, %select_n3A_193, %lt3A_198 : i32
    %ne3A_200 = arith.xori %lt3A_197, %lt3A_199 : i1
    %and3A_201 = arith.andi %ne3A_200, %ne3A_196 : i1
    %add3A_202 = arith.addi %rem3A_194, %select_n3A_193 : i32
    %select_n3A_203 = arith.select %and3A_201, %add3A_202, %rem3A_194 : i32
    %mul3A_204 = arith.constant 512 : i32
    %mul3A_205 = arith.muli %select_n3A_203, %mul3A_204 : i32
    %broadcast_in_dim3A_206 = vector.broadcast %select_n3A_189 : i32 to vector<16xi32>
    %broadcast_in_dim3A_207 = vector.broadcast %mul3A_205 : i32 to vector<16xi32>
    %eq3A_208 = arith.cmpi eq, %iota3A, %broadcast_in_dim3A_206 : vector<16xi32>
    %sub3A_209 = arith.subi %min3A_165, %broadcast_in_dim3A_207 : vector<16xi32>
    %jit3A_210 = arith.constant 0 : i32
    %jit3A_211 = arith.constant 512 : i32
    %max3A = vector.broadcast %jit3A_210 : i32 to vector<16xi32>
    %max3A_212 = arith.maxsi %max3A, %sub3A_209 : vector<16xi32>
    %min3A_213 = vector.broadcast %jit3A_211 : i32 to vector<16xi32>
    %min3A_214 = arith.minsi %min3A_213, %max3A_212 : vector<16xi32>
    %select_n3A_215 = arith.select %eq3A_208, %min3A_214, %broadcast_in_dim3A_0 : vector<16xi1>, vector<16xi32>
    %reduce_sum3A = arith.constant true
    %reduce_sum3A_216 = vector.broadcast %reduce_sum3A : i1 to vector<16xi1>
    %reduce_sum3A_217 = tpu.scan <sum>, %select_n3A_215 masked %reduce_sum3A_216 : vector<16xi32>, vector<16xi1> -> vector<16xi32>
    %reduce_sum3A_218 = vector.extract %reduce_sum3A_217[15] : i32 from vector<16xi32>
    %add3A_219 = arith.constant 16 : i32
    %add3A_220 = arith.addi %reduce_sum3A_218, %add3A_219 : i32
    %sub3A_221 = arith.constant 1 : i32
    %sub3A_222 = arith.subi %add3A_220, %sub3A_221 : i32
    %jit3A_223 = arith.constant 16 : i32
    %div3A_224 = arith.divsi %sub3A_222, %jit3A_223 : i32
    %sign3A_225 = arith.constant 0 : i32
    %sign3A_226 = arith.cmpi sgt, %sub3A_222, %sign3A_225 : i32
    %sign3A_227 = arith.extui %sign3A_226 : i1 to i32
    %sign3A_228 = arith.constant 0 : i32
    %sign3A_229 = arith.cmpi slt, %sub3A_222, %sign3A_228 : i32
    %sign3A_230 = arith.extui %sign3A_229 : i1 to i32
    %sign3A_231 = arith.subi %sign3A_227, %sign3A_230 : i32
    %sign3A_232 = arith.constant 0 : i32
    %sign3A_233 = arith.cmpi sgt, %jit3A_223, %sign3A_232 : i32
    %sign3A_234 = arith.extui %sign3A_233 : i1 to i32
    %sign3A_235 = arith.constant 0 : i32
    %sign3A_236 = arith.cmpi slt, %jit3A_223, %sign3A_235 : i32
    %sign3A_237 = arith.extui %sign3A_236 : i1 to i32
    %sign3A_238 = arith.subi %sign3A_234, %sign3A_237 : i32
    %ne3A_239 = arith.cmpi ne, %sign3A_231, %sign3A_238 : i32
    %rem3A_240 = arith.remsi %sub3A_222, %jit3A_223 : i32
    %ne3A_241 = arith.constant 0 : i32
    %ne3A_242 = arith.cmpi ne, %rem3A_240, %ne3A_241 : i32
    %and3A_243 = arith.andi %ne3A_239, %ne3A_242 : i1
    %sub3A_244 = arith.constant 1 : i32
    %sub3A_245 = arith.subi %div3A_224, %sub3A_244 : i32
    %select_n3A_246 = arith.select %and3A_243, %sub3A_245, %div3A_224 : i32
    %mul3A_247 = arith.constant 16 : i32
    %mul3A_248 = arith.muli %select_n3A_246, %mul3A_247 : i32
    %sub3A_249 = arith.constant 512 : i32
    %sub3A_250 = arith.subi %sub3A_249, %mul3A_248 : i32
    %jit3A_251 = arith.constant 16 : i32
    %div3A_252 = arith.divsi %sub3A_250, %jit3A_251 : i32
    %sign3A_253 = arith.constant 0 : i32
    %sign3A_254 = arith.cmpi sgt, %sub3A_250, %sign3A_253 : i32
    %sign3A_255 = arith.extui %sign3A_254 : i1 to i32
    %sign3A_256 = arith.constant 0 : i32
    %sign3A_257 = arith.cmpi slt, %sub3A_250, %sign3A_256 : i32
    %sign3A_258 = arith.extui %sign3A_257 : i1 to i32
    %sign3A_259 = arith.subi %sign3A_255, %sign3A_258 : i32
    %sign3A_260 = arith.constant 0 : i32
    %sign3A_261 = arith.cmpi sgt, %jit3A_251, %sign3A_260 : i32
    %sign3A_262 = arith.extui %sign3A_261 : i1 to i32
    %sign3A_263 = arith.constant 0 : i32
    %sign3A_264 = arith.cmpi slt, %jit3A_251, %sign3A_263 : i32
    %sign3A_265 = arith.extui %sign3A_264 : i1 to i32
    %sign3A_266 = arith.subi %sign3A_262, %sign3A_265 : i32
    %ne3A_267 = arith.cmpi ne, %sign3A_259, %sign3A_266 : i32
    %rem3A_268 = arith.remsi %sub3A_250, %jit3A_251 : i32
    %ne3A_269 = arith.constant 0 : i32
    %ne3A_270 = arith.cmpi ne, %rem3A_268, %ne3A_269 : i32
    %and3A_271 = arith.andi %ne3A_267, %ne3A_270 : i1
    %sub3A_272 = arith.constant 1 : i32
    %sub3A_273 = arith.subi %div3A_252, %sub3A_272 : i32
    %select_n3A_274 = arith.select %and3A_271, %sub3A_273, %div3A_252 : i32
    %while3A = arith.constant 0 : i32
    %while3A_275 = arith.constant 0 : i32
    %while3A_276 = arith.subi %select_n3A_274, %while3A : i32
    %while3A_277 = arith.addi %while3A, %while3A_276 : i32
    %while3A_278 = arith.constant 1 : i32
    %while3A_279 = arith.divsi %while3A_276, %while3A_278 : i32
    %while3A_280 = arith.muli %while3A_279, %while3A_278 : i32
    %while3A_281 = arith.addi %while3A, %while3A_280 : i32
    %while3A_282 = arith.constant 1 : i32
    %while3A_283 = scf.for %while3A_380 = %while3A to %while3A_281 step %while3A_282 iter_args(%while3A_381 = %while3A_275) -> (i32)  : i32 {
      %add3A_382 = arith.addi %select_n3A_246, %while3A_380 : i32
      %mul3A_383 = arith.constant 16 : i32
      %mul3A_384 = arith.muli %add3A_382, %mul3A_383 : i32
      %add3A_385 = arith.addi %mul3A_171, %mul3A_384 : i32
      %multiple_of3A = tpu.assume_multiple %add3A_385, 8 : i32
      %dma_start3A = arith.constant 0 : i32
      %dma_start3A_386 = tpu.memref_slice %arg5[%multiple_of3A, %dma_start3A] : memref<16384x2048xf32, #tpu.memory_space<hbm>> -> memref<16x2048xf32, #tpu.memory_space<hbm>>
      %dma_start3A_387 = arith.constant 0 : i32
      %dma_start3A_388 = tpu.memref_slice %arg5[%multiple_of3A, %dma_start3A_387] : memref<16384x2048xf32, #tpu.memory_space<hbm>> -> memref<16x2048xf32, #tpu.memory_space<hbm>>
      tpu.enqueue_dma source(%arg17 : memref<16x2048xf32, #tpu.memory_space<vmem>>) target(%dma_start3A_388 : memref<16x2048xf32, #tpu.memory_space<hbm>>) target_semaphore(%arg26 : memref<!tpu.dma_semaphore, #tpu.memory_space<semaphore_mem>>)
      %while3A_389 = arith.constant 0 : i32
      scf.yield %while3A_389 : i32
    }
    %while3A_284 = arith.constant 1 : i32
    %while3A_285 = scf.for %while3A_380 = %while3A_281 to %while3A_277 step %while3A_284 iter_args(%while3A_381 = %while3A_283) -> (i32)  : i32 {
      %add3A_382 = arith.addi %select_n3A_246, %while3A_380 : i32
      %mul3A_383 = arith.constant 16 : i32
      %mul3A_384 = arith.muli %add3A_382, %mul3A_383 : i32
      %add3A_385 = arith.addi %mul3A_171, %mul3A_384 : i32
      %multiple_of3A = tpu.assume_multiple %add3A_385, 8 : i32
      %dma_start3A = arith.constant 0 : i32
      %dma_start3A_386 = tpu.memref_slice %arg5[%multiple_of3A, %dma_start3A] : memref<16384x2048xf32, #tpu.memory_space<hbm>> -> memref<16x2048xf32, #tpu.memory_space<hbm>>
      %dma_start3A_387 = arith.constant 0 : i32
      %dma_start3A_388 = tpu.memref_slice %arg5[%multiple_of3A, %dma_start3A_387] : memref<16384x2048xf32, #tpu.memory_space<hbm>> -> memref<16x2048xf32, #tpu.memory_space<hbm>>
      tpu.enqueue_dma source(%arg17 : memref<16x2048xf32, #tpu.memory_space<vmem>>) target(%dma_start3A_388 : memref<16x2048xf32, #tpu.memory_space<hbm>>) target_semaphore(%arg26 : memref<!tpu.dma_semaphore, #tpu.memory_space<semaphore_mem>>)
      %while3A_389 = arith.constant 0 : i32
      scf.yield %while3A_389 : i32
    }
    "tpu.region"() ({
      %run_scoped3A = tpu.sem_alloc : memref<!tpu.dma_semaphore, #tpu.memory_space<semaphore_mem>>
      tpu.enqueue_dma source(%arg20 : memref<8192xi32, #tpu.memory_space<vmem_shared>>) target(%arg12 : memref<8192xi32, #tpu.memory_space<vmem>>) target_semaphore(%run_scoped3A : memref<!tpu.dma_semaphore, #tpu.memory_space<semaphore_mem>>)
      tpu.wait_dma2 semaphore(%run_scoped3A : memref<!tpu.dma_semaphore, #tpu.memory_space<semaphore_mem>>) src(%arg20 : memref<8192xi32, #tpu.memory_space<vmem_shared>>) dst(%arg12 : memref<8192xi32, #tpu.memory_space<vmem>>)
      tpu.yield
    }) : () -> ()
    "tpu.region"() ({
      %run_scoped3A = tpu.sem_alloc : memref<!tpu.dma_semaphore, #tpu.memory_space<semaphore_mem>>
      tpu.enqueue_dma source(%arg21 : memref<8192xi32, #tpu.memory_space<vmem_shared>>) target(%arg13 : memref<8192xi32, #tpu.memory_space<vmem>>) target_semaphore(%run_scoped3A : memref<!tpu.dma_semaphore, #tpu.memory_space<semaphore_mem>>)
      tpu.wait_dma2 semaphore(%run_scoped3A : memref<!tpu.dma_semaphore, #tpu.memory_space<semaphore_mem>>) src(%arg21 : memref<8192xi32, #tpu.memory_space<vmem_shared>>) dst(%arg13 : memref<8192xi32, #tpu.memory_space<vmem>>)
      tpu.yield
    }) : () -> ()
    %scan3A_286 = arith.constant 0 : i32
    %scan3A_287 = arith.constant 0 : i32
    %scan3A_288 = arith.constant 32 : i32
    %scan3A_289 = arith.addi %scan3A_287, %scan3A_288 : i32
    %scan3A_290 = arith.constant 1 : i32
    %scan3A_291 = scf.for %scan3A_380 = %scan3A_287 to %scan3A_289 step %scan3A_290 iter_args(%scan3A_381 = %scan3A_286) -> (i32)  : i32 {
      %mul3A_382 = arith.constant 16 : i32
      %mul3A_383 = arith.muli %scan3A_380, %mul3A_382 : i32
      %swap3A_384 = arith.index_cast %mul3A_383 : i32 to index
      %swap3A_385 = tpu.vector_load %arg14[%swap3A_384] {strides = array<i32>} : memref<512xi32, #tpu.memory_space<vmem>>, vector<16xi32>,
      tpu.vector_store %arg14[%swap3A_384], %broadcast_in_dim3A_0 {strides = array<i32>} : memref<512xi32, #tpu.memory_space<vmem>>, vector<16xi32>,
      %scan3A_386 = arith.constant 0 : i32
      scf.yield %scan3A_386 : i32
    }
    %scan3A_292 = arith.constant 32 : i32
    %scan3A_293 = arith.constant 0 : i32
    %scan3A_294 = arith.constant 0 : i32
    %scan3A_295 = arith.constant 512 : i32
    %scan3A_296 = arith.addi %scan3A_294, %scan3A_295 : i32
    %scan3A_297 = arith.constant 1 : i32
    %scan3A_298 = scf.for %scan3A_380 = %scan3A_294 to %scan3A_296 step %scan3A_297 iter_args(%scan3A_381 = %scan3A_293) -> (i32)  : i32 {
      %mul3A_382 = arith.constant 16 : i32
      %mul3A_383 = arith.muli %scan3A_380, %mul3A_382 : i32
      %get3A_384 = arith.index_cast %mul3A_383 : i32 to index
      %get3A_385 = tpu.vector_load %arg12[%get3A_384] {strides = array<i32>} : memref<8192xi32, #tpu.memory_space<vmem>>, vector<16xi32>,
      %get3A_386 = arith.index_cast %mul3A_383 : i32 to index
      %get3A_387 = tpu.vector_load %arg13[%get3A_386] {strides = array<i32>} : memref<8192xi32, #tpu.memory_space<vmem>>, vector<16xi32>,
      %sub3A_388 = arith.subi %get3A_387, %broadcast_in_dim3A_207 : vector<16xi32>
      %eq3A_389 = arith.cmpi eq, %get3A_385, %broadcast_in_dim3A_206 : vector<16xi32>
      %ge3A_390 = arith.constant 0 : i32
      %ge3A_391 = vector.broadcast %ge3A_390 : i32 to vector<16xi32>
      %ge3A_392 = arith.cmpi sge, %sub3A_388, %ge3A_391 : vector<16xi32>
      %and3A_393 = arith.andi %eq3A_389, %ge3A_392 : vector<16xi1>
      %lt3A_394 = arith.constant 512 : i32
      %lt3A_395 = vector.broadcast %lt3A_394 : i32 to vector<16xi32>
      %lt3A_396 = arith.cmpi slt, %sub3A_388, %lt3A_395 : vector<16xi32>
      %and3A_397 = arith.andi %and3A_393, %lt3A_396 : vector<16xi1>
      %add3A_398 = vector.broadcast %mul3A_383 : i32 to vector<16xi32>
      %add3A_399 = arith.addi %iota3A, %add3A_398 : vector<16xi32>
      tpu.vector_store_idx %arg14[%sub3A_388], %add3A_399 masked %and3A_397 : memref<512xi32, #tpu.memory_space<vmem>>[vector<16xi32>], vector<16xi32>, vector<16xi1>
      %scan3A_400 = arith.constant 0 : i32
      scf.yield %scan3A_400 : i32
    }
    %scan3A_299 = arith.constant 512 : i32
    %gt3A_300 = arith.constant 0 : i32
    %gt3A_301 = arith.cmpi sgt, %select_n3A_246, %gt3A_300 : i32
    %convert_element_type3A = arith.extui %gt3A_301 : i1 to i32
    %cond3A = arith.constant 0 : i32
    %cond3A_302 = arith.cmpi ne, %convert_element_type3A, %cond3A : i32
    scf.if %cond3A_302 {
      %get3A_380 = arith.constant 0 : index
      %get3A_381 = tpu.vector_load %arg14[%get3A_380] {strides = array<i32>} : memref<512xi32, #tpu.memory_space<vmem>>, vector<16xi32>,
      %dma_start3A = arith.constant 0 : i32
      %dma_start3A_382 = arith.constant 0 : i32
      %dma_start3A_383 = tpu.memref_slice %arg3[%dma_start3A, %dma_start3A_382] : memref<8192x2048xf32, #tpu.memory_space<hbm>> -> memref<8192x2048xf32, #tpu.memory_space<hbm>>
      tpu.enqueue_indirect_dma source(%dma_start3A_383 : memref<8192x2048xf32, #tpu.memory_space<hbm>>) target(%arg15 : memref<16x2048xf32, #tpu.memory_space<vmem>>) offsets(%get3A_381 : vector<16xi32>) semaphore(%arg22 : memref<!tpu.dma_semaphore, #tpu.memory_space<semaphore_mem>>)
    } else {
    }
    %while3A_303 = arith.constant 0 : i32
    %while3A_304 = arith.constant 0 : i32
    %while3A_305 = arith.subi %select_n3A_246, %while3A_303 : i32
    %while3A_306 = arith.addi %while3A_303, %while3A_305 : i32
    %while3A_307 = arith.constant 1 : i32
    %while3A_308 = arith.divsi %while3A_305, %while3A_307 : i32
    %while3A_309 = arith.muli %while3A_308, %while3A_307 : i32
    %while3A_310 = arith.addi %while3A_303, %while3A_309 : i32
    %while3A_311 = arith.constant 1 : i32
    %while3A_312 = scf.for %while3A_380 = %while3A_303 to %while3A_310 step %while3A_311 iter_args(%while3A_381 = %while3A_304) -> (i32)  : i32 {
      %jit3A_382 = arith.constant 2 : i32
      %eq3A_383 = arith.constant 0 : i32
      %eq3A_384 = arith.cmpi eq, %jit3A_382, %eq3A_383 : i32
      %jit3A_385 = arith.constant 1 : i32
      %select_n3A_386 = arith.select %eq3A_384, %jit3A_385, %jit3A_382 : i32
      %rem3A_387 = arith.remsi %while3A_380, %select_n3A_386 : i32
      %ne3A_388 = arith.constant 0 : i32
      %ne3A_389 = arith.cmpi ne, %rem3A_387, %ne3A_388 : i32
      %lt3A_390 = arith.constant 0 : i32
      %lt3A_391 = arith.cmpi slt, %rem3A_387, %lt3A_390 : i32
      %lt3A_392 = arith.constant 0 : i32
      %lt3A_393 = arith.cmpi slt, %select_n3A_386, %lt3A_392 : i32
      %ne3A_394 = arith.xori %lt3A_391, %lt3A_393 : i1
      %and3A_395 = arith.andi %ne3A_394, %ne3A_389 : i1
      %add3A_396 = arith.addi %rem3A_387, %select_n3A_386 : i32
      %select_n3A_397 = arith.select %and3A_395, %add3A_396, %rem3A_387 : i32
      %eq3A_398 = arith.constant 0 : i32
      %eq3A_399 = arith.cmpi eq, %select_n3A_397, %eq3A_398 : i32
      %convert_element_type3A_400 = arith.extui %eq3A_399 : i1 to i32
      %cond3A_401 = arith.constant 0 : i32
      %cond3A_402 = arith.cmpi ne, %convert_element_type3A_400, %cond3A_401 : i32
      scf.if %cond3A_402 {
        %ge3A_425 = arith.constant 1 : i32
        %ge3A_426 = arith.cmpi sge, %while3A_380, %ge3A_425 : i32
        %convert_element_type3A_427 = arith.extui %ge3A_426 : i1 to i32
        %cond3A_428 = arith.constant 0 : i32
        %cond3A_429 = arith.cmpi ne, %convert_element_type3A_427, %cond3A_428 : i32
        scf.if %cond3A_429 {
          %sub3A_448 = arith.constant 1 : i32
          %sub3A_449 = arith.subi %while3A_380, %sub3A_448 : i32
          %mul3A_450 = arith.constant 16 : i32
          %mul3A_451 = arith.muli %sub3A_449, %mul3A_450 : i32
          %add3A_452 = arith.addi %mul3A_171, %mul3A_451 : i32
          %multiple_of3A_453 = tpu.assume_multiple %add3A_452, 8 : i32
          %dma_wait3A_454 = arith.constant 0 : i32
          %dma_wait3A_455 = tpu.memref_slice %arg5[%multiple_of3A_453, %dma_wait3A_454] : memref<16384x2048xf32, #tpu.memory_space<hbm>> -> memref<16x2048xf32, #tpu.memory_space<hbm>>
          %dma_wait3A_456 = arith.constant 0 : i32
          %dma_wait3A_457 = tpu.memref_slice %arg5[%multiple_of3A_453, %dma_wait3A_456] : memref<16384x2048xf32, #tpu.memory_space<hbm>> -> memref<16x2048xf32, #tpu.memory_space<hbm>>
          tpu.wait_dma2 semaphore(%arg25 : memref<!tpu.dma_semaphore, #tpu.memory_space<semaphore_mem>>) src(%arg16 : memref<16x2048xf32, #tpu.memory_space<vmem>>) dst(%dma_wait3A_457 : memref<16x2048xf32, #tpu.memory_space<hbm>>)
        } else {
        }
        %add3A_430 = arith.constant 1 : i32
        %add3A_431 = arith.addi %while3A_380, %add3A_430 : i32
        %lt3A_432 = arith.cmpi slt, %add3A_431, %select_n3A_246 : i32
        %convert_element_type3A_433 = arith.extui %lt3A_432 : i1 to i32
        %cond3A_434 = arith.constant 0 : i32
        %cond3A_435 = arith.cmpi ne, %convert_element_type3A_433, %cond3A_434 : i32
        scf.if %cond3A_435 {
          %add3A_448 = arith.constant 1 : i32
          %add3A_449 = arith.addi %while3A_380, %add3A_448 : i32
          %mul3A_450 = arith.constant 16 : i32
          %mul3A_451 = arith.muli %add3A_449, %mul3A_450 : i32
          %get3A_452 = arith.index_cast %mul3A_451 : i32 to index
          %get3A_453 = tpu.vector_load %arg14[%get3A_452] {strides = array<i32>} : memref<512xi32, #tpu.memory_space<vmem>>, vector<16xi32>,
          %dma_start3A_454 = arith.constant 0 : i32
          %dma_start3A_455 = arith.constant 0 : i32
          %dma_start3A_456 = tpu.memref_slice %arg3[%dma_start3A_454, %dma_start3A_455] : memref<8192x2048xf32, #tpu.memory_space<hbm>> -> memref<8192x2048xf32, #tpu.memory_space<hbm>>
          tpu.enqueue_indirect_dma source(%dma_start3A_456 : memref<8192x2048xf32, #tpu.memory_space<hbm>>) target(%arg16 : memref<16x2048xf32, #tpu.memory_space<vmem>>) offsets(%get3A_453 : vector<16xi32>) semaphore(%arg23 : memref<!tpu.dma_semaphore, #tpu.memory_space<semaphore_mem>>)
        } else {
        }
        %mul3A_436 = arith.constant 16 : i32
        %mul3A_437 = arith.muli %while3A_380, %mul3A_436 : i32
        %get3A_438 = arith.index_cast %mul3A_437 : i32 to index
        %get3A_439 = tpu.vector_load %arg14[%get3A_438] {strides = array<i32>} : memref<512xi32, #tpu.memory_space<vmem>>, vector<16xi32>,
        %dma_wait3A = arith.constant 0 : i32
        %dma_wait3A_440 = arith.constant 0 : i32
        %dma_wait3A_441 = tpu.memref_slice %arg3[%dma_wait3A, %dma_wait3A_440] : memref<8192x2048xf32, #tpu.memory_space<hbm>> -> memref<8192x2048xf32, #tpu.memory_space<hbm>>
        tpu.wait_indirect_dma semaphore(%arg22 : memref<!tpu.dma_semaphore, #tpu.memory_space<semaphore_mem>>) src(%dma_wait3A_441 : memref<8192x2048xf32, #tpu.memory_space<hbm>>) dst(%arg15 : memref<16x2048xf32, #tpu.memory_space<vmem>>)
        %mul3A_442 = arith.constant 16 : i32
        %mul3A_443 = arith.muli %while3A_380, %mul3A_442 : i32
        %add3A_444 = arith.addi %mul3A_171, %mul3A_443 : i32
        %multiple_of3A = tpu.assume_multiple %add3A_444, 8 : i32
        %dma_start3A = arith.constant 0 : i32
        %dma_start3A_445 = tpu.memref_slice %arg5[%multiple_of3A, %dma_start3A] : memref<16384x2048xf32, #tpu.memory_space<hbm>> -> memref<16x2048xf32, #tpu.memory_space<hbm>>
        %dma_start3A_446 = arith.constant 0 : i32
        %dma_start3A_447 = tpu.memref_slice %arg5[%multiple_of3A, %dma_start3A_446] : memref<16384x2048xf32, #tpu.memory_space<hbm>> -> memref<16x2048xf32, #tpu.memory_space<hbm>>
        tpu.enqueue_dma source(%arg15 : memref<16x2048xf32, #tpu.memory_space<vmem>>) target(%dma_start3A_447 : memref<16x2048xf32, #tpu.memory_space<hbm>>) target_semaphore(%arg24 : memref<!tpu.dma_semaphore, #tpu.memory_space<semaphore_mem>>)
      } else {
      }
      %jit3A_403 = arith.constant 2 : i32
      %eq3A_404 = arith.constant 0 : i32
      %eq3A_405 = arith.cmpi eq, %jit3A_403, %eq3A_404 : i32
      %jit3A_406 = arith.constant 1 : i32
      %select_n3A_407 = arith.select %eq3A_405, %jit3A_406, %jit3A_403 : i32
      %rem3A_408 = arith.remsi %while3A_380, %select_n3A_407 : i32
      %ne3A_409 = arith.constant 0 : i32
      %ne3A_410 = arith.cmpi ne, %rem3A_408, %ne3A_409 : i32
      %lt3A_411 = arith.constant 0 : i32
      %lt3A_412 = arith.cmpi slt, %rem3A_408, %lt3A_411 : i32
      %lt3A_413 = arith.constant 0 : i32
      %lt3A_414 = arith.cmpi slt, %select_n3A_407, %lt3A_413 : i32
      %ne3A_415 = arith.xori %lt3A_412, %lt3A_414 : i1
      %and3A_416 = arith.andi %ne3A_415, %ne3A_410 : i1
      %add3A_417 = arith.addi %rem3A_408, %select_n3A_407 : i32
      %select_n3A_418 = arith.select %and3A_416, %add3A_417, %rem3A_408 : i32
      %eq3A_419 = arith.constant 1 : i32
      %eq3A_420 = arith.cmpi eq, %select_n3A_418, %eq3A_419 : i32
      %convert_element_type3A_421 = arith.extui %eq3A_420 : i1 to i32
      %cond3A_422 = arith.constant 0 : i32
      %cond3A_423 = arith.cmpi ne, %convert_element_type3A_421, %cond3A_422 : i32
      scf.if %cond3A_423 {
        %ge3A_425 = arith.constant 1 : i32
        %ge3A_426 = arith.cmpi sge, %while3A_380, %ge3A_425 : i32
        %convert_element_type3A_427 = arith.extui %ge3A_426 : i1 to i32
        %cond3A_428 = arith.constant 0 : i32
        %cond3A_429 = arith.cmpi ne, %convert_element_type3A_427, %cond3A_428 : i32
        scf.if %cond3A_429 {
          %sub3A_448 = arith.constant 1 : i32
          %sub3A_449 = arith.subi %while3A_380, %sub3A_448 : i32
          %mul3A_450 = arith.constant 16 : i32
          %mul3A_451 = arith.muli %sub3A_449, %mul3A_450 : i32
          %add3A_452 = arith.addi %mul3A_171, %mul3A_451 : i32
          %multiple_of3A_453 = tpu.assume_multiple %add3A_452, 8 : i32
          %dma_wait3A_454 = arith.constant 0 : i32
          %dma_wait3A_455 = tpu.memref_slice %arg5[%multiple_of3A_453, %dma_wait3A_454] : memref<16384x2048xf32, #tpu.memory_space<hbm>> -> memref<16x2048xf32, #tpu.memory_space<hbm>>
          %dma_wait3A_456 = arith.constant 0 : i32
          %dma_wait3A_457 = tpu.memref_slice %arg5[%multiple_of3A_453, %dma_wait3A_456] : memref<16384x2048xf32, #tpu.memory_space<hbm>> -> memref<16x2048xf32, #tpu.memory_space<hbm>>
          tpu.wait_dma2 semaphore(%arg24 : memref<!tpu.dma_semaphore, #tpu.memory_space<semaphore_mem>>) src(%arg15 : memref<16x2048xf32, #tpu.memory_space<vmem>>) dst(%dma_wait3A_457 : memref<16x2048xf32, #tpu.memory_space<hbm>>)
        } else {
        }
        %add3A_430 = arith.constant 1 : i32
        %add3A_431 = arith.addi %while3A_380, %add3A_430 : i32
        %lt3A_432 = arith.cmpi slt, %add3A_431, %select_n3A_246 : i32
        %convert_element_type3A_433 = arith.extui %lt3A_432 : i1 to i32
        %cond3A_434 = arith.constant 0 : i32
        %cond3A_435 = arith.cmpi ne, %convert_element_type3A_433, %cond3A_434 : i32
        scf.if %cond3A_435 {
          %add3A_448 = arith.constant 1 : i32
          %add3A_449 = arith.addi %while3A_380, %add3A_448 : i32
          %mul3A_450 = arith.constant 16 : i32
          %mul3A_451 = arith.muli %add3A_449, %mul3A_450 : i32
          %get3A_452 = arith.index_cast %mul3A_451 : i32 to index
          %get3A_453 = tpu.vector_load %arg14[%get3A_452] {strides = array<i32>} : memref<512xi32, #tpu.memory_space<vmem>>, vector<16xi32>,
          %dma_start3A_454 = arith.constant 0 : i32
          %dma_start3A_455 = arith.constant 0 : i32
          %dma_start3A_456 = tpu.memref_slice %arg3[%dma_start3A_454, %dma_start3A_455] : memref<8192x2048xf32, #tpu.memory_space<hbm>> -> memref<8192x2048xf32, #tpu.memory_space<hbm>>
          tpu.enqueue_indirect_dma source(%dma_start3A_456 : memref<8192x2048xf32, #tpu.memory_space<hbm>>) target(%arg15 : memref<16x2048xf32, #tpu.memory_space<vmem>>) offsets(%get3A_453 : vector<16xi32>) semaphore(%arg22 : memref<!tpu.dma_semaphore, #tpu.memory_space<semaphore_mem>>)
        } else {
        }
        %mul3A_436 = arith.constant 16 : i32
        %mul3A_437 = arith.muli %while3A_380, %mul3A_436 : i32
        %get3A_438 = arith.index_cast %mul3A_437 : i32 to index
        %get3A_439 = tpu.vector_load %arg14[%get3A_438] {strides = array<i32>} : memref<512xi32, #tpu.memory_space<vmem>>, vector<16xi32>,
        %dma_wait3A = arith.constant 0 : i32
        %dma_wait3A_440 = arith.constant 0 : i32
        %dma_wait3A_441 = tpu.memref_slice %arg3[%dma_wait3A, %dma_wait3A_440] : memref<8192x2048xf32, #tpu.memory_space<hbm>> -> memref<8192x2048xf32, #tpu.memory_space<hbm>>
        tpu.wait_indirect_dma semaphore(%arg23 : memref<!tpu.dma_semaphore, #tpu.memory_space<semaphore_mem>>) src(%dma_wait3A_441 : memref<8192x2048xf32, #tpu.memory_space<hbm>>) dst(%arg16 : memref<16x2048xf32, #tpu.memory_space<vmem>>)
        %mul3A_442 = arith.constant 16 : i32
        %mul3A_443 = arith.muli %while3A_380, %mul3A_442 : i32
        %add3A_444 = arith.addi %mul3A_171, %mul3A_443 : i32
        %multiple_of3A = tpu.assume_multiple %add3A_444, 8 : i32
        %dma_start3A = arith.constant 0 : i32
        %dma_start3A_445 = tpu.memref_slice %arg5[%multiple_of3A, %dma_start3A] : memref<16384x2048xf32, #tpu.memory_space<hbm>> -> memref<16x2048xf32, #tpu.memory_space<hbm>>
        %dma_start3A_446 = arith.constant 0 : i32
        %dma_start3A_447 = tpu.memref_slice %arg5[%multiple_of3A, %dma_start3A_446] : memref<16384x2048xf32, #tpu.memory_space<hbm>> -> memref<16x2048xf32, #tpu.memory_space<hbm>>
        tpu.enqueue_dma source(%arg16 : memref<16x2048xf32, #tpu.memory_space<vmem>>) target(%dma_start3A_447 : memref<16x2048xf32, #tpu.memory_space<hbm>>) target_semaphore(%arg25 : memref<!tpu.dma_semaphore, #tpu.memory_space<semaphore_mem>>)
      } else {
      }
      %while3A_424 = arith.constant 0 : i32
      scf.yield %while3A_424 : i32
    }
    %while3A_313 = arith.constant 1 : i32
    %while3A_314 = scf.for %while3A_380 = %while3A_310 to %while3A_306 step %while3A_313 iter_args(%while3A_381 = %while3A_312) -> (i32)  : i32 {
      %jit3A_382 = arith.constant 2 : i32
      %eq3A_383 = arith.constant 0 : i32
      %eq3A_384 = arith.cmpi eq, %jit3A_382, %eq3A_383 : i32
      %jit3A_385 = arith.constant 1 : i32
      %select_n3A_386 = arith.select %eq3A_384, %jit3A_385, %jit3A_382 : i32
      %rem3A_387 = arith.remsi %while3A_380, %select_n3A_386 : i32
      %ne3A_388 = arith.constant 0 : i32
      %ne3A_389 = arith.cmpi ne, %rem3A_387, %ne3A_388 : i32
      %lt3A_390 = arith.constant 0 : i32
      %lt3A_391 = arith.cmpi slt, %rem3A_387, %lt3A_390 : i32
      %lt3A_392 = arith.constant 0 : i32
      %lt3A_393 = arith.cmpi slt, %select_n3A_386, %lt3A_392 : i32
      %ne3A_394 = arith.xori %lt3A_391, %lt3A_393 : i1
      %and3A_395 = arith.andi %ne3A_394, %ne3A_389 : i1
      %add3A_396 = arith.addi %rem3A_387, %select_n3A_386 : i32
      %select_n3A_397 = arith.select %and3A_395, %add3A_396, %rem3A_387 : i32
      %eq3A_398 = arith.constant 0 : i32
      %eq3A_399 = arith.cmpi eq, %select_n3A_397, %eq3A_398 : i32
      %convert_element_type3A_400 = arith.extui %eq3A_399 : i1 to i32
      %cond3A_401 = arith.constant 0 : i32
      %cond3A_402 = arith.cmpi ne, %convert_element_type3A_400, %cond3A_401 : i32
      scf.if %cond3A_402 {
        %ge3A_425 = arith.constant 1 : i32
        %ge3A_426 = arith.cmpi sge, %while3A_380, %ge3A_425 : i32
        %convert_element_type3A_427 = arith.extui %ge3A_426 : i1 to i32
        %cond3A_428 = arith.constant 0 : i32
        %cond3A_429 = arith.cmpi ne, %convert_element_type3A_427, %cond3A_428 : i32
        scf.if %cond3A_429 {
          %sub3A_448 = arith.constant 1 : i32
          %sub3A_449 = arith.subi %while3A_380, %sub3A_448 : i32
          %mul3A_450 = arith.constant 16 : i32
          %mul3A_451 = arith.muli %sub3A_449, %mul3A_450 : i32
          %add3A_452 = arith.addi %mul3A_171, %mul3A_451 : i32
          %multiple_of3A_453 = tpu.assume_multiple %add3A_452, 8 : i32
          %dma_wait3A_454 = arith.constant 0 : i32
          %dma_wait3A_455 = tpu.memref_slice %arg5[%multiple_of3A_453, %dma_wait3A_454] : memref<16384x2048xf32, #tpu.memory_space<hbm>> -> memref<16x2048xf32, #tpu.memory_space<hbm>>
          %dma_wait3A_456 = arith.constant 0 : i32
          %dma_wait3A_457 = tpu.memref_slice %arg5[%multiple_of3A_453, %dma_wait3A_456] : memref<16384x2048xf32, #tpu.memory_space<hbm>> -> memref<16x2048xf32, #tpu.memory_space<hbm>>
          tpu.wait_dma2 semaphore(%arg25 : memref<!tpu.dma_semaphore, #tpu.memory_space<semaphore_mem>>) src(%arg16 : memref<16x2048xf32, #tpu.memory_space<vmem>>) dst(%dma_wait3A_457 : memref<16x2048xf32, #tpu.memory_space<hbm>>)
        } else {
        }
        %add3A_430 = arith.constant 1 : i32
        %add3A_431 = arith.addi %while3A_380, %add3A_430 : i32
        %lt3A_432 = arith.cmpi slt, %add3A_431, %select_n3A_246 : i32
        %convert_element_type3A_433 = arith.extui %lt3A_432 : i1 to i32
        %cond3A_434 = arith.constant 0 : i32
        %cond3A_435 = arith.cmpi ne, %convert_element_type3A_433, %cond3A_434 : i32
        scf.if %cond3A_435 {
          %add3A_448 = arith.constant 1 : i32
          %add3A_449 = arith.addi %while3A_380, %add3A_448 : i32
          %mul3A_450 = arith.constant 16 : i32
          %mul3A_451 = arith.muli %add3A_449, %mul3A_450 : i32
          %get3A_452 = arith.index_cast %mul3A_451 : i32 to index
          %get3A_453 = tpu.vector_load %arg14[%get3A_452] {strides = array<i32>} : memref<512xi32, #tpu.memory_space<vmem>>, vector<16xi32>,
          %dma_start3A_454 = arith.constant 0 : i32
          %dma_start3A_455 = arith.constant 0 : i32
          %dma_start3A_456 = tpu.memref_slice %arg3[%dma_start3A_454, %dma_start3A_455] : memref<8192x2048xf32, #tpu.memory_space<hbm>> -> memref<8192x2048xf32, #tpu.memory_space<hbm>>
          tpu.enqueue_indirect_dma source(%dma_start3A_456 : memref<8192x2048xf32, #tpu.memory_space<hbm>>) target(%arg16 : memref<16x2048xf32, #tpu.memory_space<vmem>>) offsets(%get3A_453 : vector<16xi32>) semaphore(%arg23 : memref<!tpu.dma_semaphore, #tpu.memory_space<semaphore_mem>>)
        } else {
        }
        %mul3A_436 = arith.constant 16 : i32
        %mul3A_437 = arith.muli %while3A_380, %mul3A_436 : i32
        %get3A_438 = arith.index_cast %mul3A_437 : i32 to index
        %get3A_439 = tpu.vector_load %arg14[%get3A_438] {strides = array<i32>} : memref<512xi32, #tpu.memory_space<vmem>>, vector<16xi32>,
        %dma_wait3A = arith.constant 0 : i32
        %dma_wait3A_440 = arith.constant 0 : i32
        %dma_wait3A_441 = tpu.memref_slice %arg3[%dma_wait3A, %dma_wait3A_440] : memref<8192x2048xf32, #tpu.memory_space<hbm>> -> memref<8192x2048xf32, #tpu.memory_space<hbm>>
        tpu.wait_indirect_dma semaphore(%arg22 : memref<!tpu.dma_semaphore, #tpu.memory_space<semaphore_mem>>) src(%dma_wait3A_441 : memref<8192x2048xf32, #tpu.memory_space<hbm>>) dst(%arg15 : memref<16x2048xf32, #tpu.memory_space<vmem>>)
        %mul3A_442 = arith.constant 16 : i32
        %mul3A_443 = arith.muli %while3A_380, %mul3A_442 : i32
        %add3A_444 = arith.addi %mul3A_171, %mul3A_443 : i32
        %multiple_of3A = tpu.assume_multiple %add3A_444, 8 : i32
        %dma_start3A = arith.constant 0 : i32
        %dma_start3A_445 = tpu.memref_slice %arg5[%multiple_of3A, %dma_start3A] : memref<16384x2048xf32, #tpu.memory_space<hbm>> -> memref<16x2048xf32, #tpu.memory_space<hbm>>
        %dma_start3A_446 = arith.constant 0 : i32
        %dma_start3A_447 = tpu.memref_slice %arg5[%multiple_of3A, %dma_start3A_446] : memref<16384x2048xf32, #tpu.memory_space<hbm>> -> memref<16x2048xf32, #tpu.memory_space<hbm>>
        tpu.enqueue_dma source(%arg15 : memref<16x2048xf32, #tpu.memory_space<vmem>>) target(%dma_start3A_447 : memref<16x2048xf32, #tpu.memory_space<hbm>>) target_semaphore(%arg24 : memref<!tpu.dma_semaphore, #tpu.memory_space<semaphore_mem>>)
      } else {
      }
      %jit3A_403 = arith.constant 2 : i32
      %eq3A_404 = arith.constant 0 : i32
      %eq3A_405 = arith.cmpi eq, %jit3A_403, %eq3A_404 : i32
      %jit3A_406 = arith.constant 1 : i32
      %select_n3A_407 = arith.select %eq3A_405, %jit3A_406, %jit3A_403 : i32
      %rem3A_408 = arith.remsi %while3A_380, %select_n3A_407 : i32
      %ne3A_409 = arith.constant 0 : i32
      %ne3A_410 = arith.cmpi ne, %rem3A_408, %ne3A_409 : i32
      %lt3A_411 = arith.constant 0 : i32
      %lt3A_412 = arith.cmpi slt, %rem3A_408, %lt3A_411 : i32
      %lt3A_413 = arith.constant 0 : i32
      %lt3A_414 = arith.cmpi slt, %select_n3A_407, %lt3A_413 : i32
      %ne3A_415 = arith.xori %lt3A_412, %lt3A_414 : i1
      %and3A_416 = arith.andi %ne3A_415, %ne3A_410 : i1
      %add3A_417 = arith.addi %rem3A_408, %select_n3A_407 : i32
      %select_n3A_418 = arith.select %and3A_416, %add3A_417, %rem3A_408 : i32
      %eq3A_419 = arith.constant 1 : i32
      %eq3A_420 = arith.cmpi eq, %select_n3A_418, %eq3A_419 : i32
      %convert_element_type3A_421 = arith.extui %eq3A_420 : i1 to i32
      %cond3A_422 = arith.constant 0 : i32
      %cond3A_423 = arith.cmpi ne, %convert_element_type3A_421, %cond3A_422 : i32
      scf.if %cond3A_423 {
        %ge3A_425 = arith.constant 1 : i32
        %ge3A_426 = arith.cmpi sge, %while3A_380, %ge3A_425 : i32
        %convert_element_type3A_427 = arith.extui %ge3A_426 : i1 to i32
        %cond3A_428 = arith.constant 0 : i32
        %cond3A_429 = arith.cmpi ne, %convert_element_type3A_427, %cond3A_428 : i32
        scf.if %cond3A_429 {
          %sub3A_448 = arith.constant 1 : i32
          %sub3A_449 = arith.subi %while3A_380, %sub3A_448 : i32
          %mul3A_450 = arith.constant 16 : i32
          %mul3A_451 = arith.muli %sub3A_449, %mul3A_450 : i32
          %add3A_452 = arith.addi %mul3A_171, %mul3A_451 : i32
          %multiple_of3A_453 = tpu.assume_multiple %add3A_452, 8 : i32
          %dma_wait3A_454 = arith.constant 0 : i32
          %dma_wait3A_455 = tpu.memref_slice %arg5[%multiple_of3A_453, %dma_wait3A_454] : memref<16384x2048xf32, #tpu.memory_space<hbm>> -> memref<16x2048xf32, #tpu.memory_space<hbm>>
          %dma_wait3A_456 = arith.constant 0 : i32
          %dma_wait3A_457 = tpu.memref_slice %arg5[%multiple_of3A_453, %dma_wait3A_456] : memref<16384x2048xf32, #tpu.memory_space<hbm>> -> memref<16x2048xf32, #tpu.memory_space<hbm>>
          tpu.wait_dma2 semaphore(%arg24 : memref<!tpu.dma_semaphore, #tpu.memory_space<semaphore_mem>>) src(%arg15 : memref<16x2048xf32, #tpu.memory_space<vmem>>) dst(%dma_wait3A_457 : memref<16x2048xf32, #tpu.memory_space<hbm>>)
        } else {
        }
        %add3A_430 = arith.constant 1 : i32
        %add3A_431 = arith.addi %while3A_380, %add3A_430 : i32
        %lt3A_432 = arith.cmpi slt, %add3A_431, %select_n3A_246 : i32
        %convert_element_type3A_433 = arith.extui %lt3A_432 : i1 to i32
        %cond3A_434 = arith.constant 0 : i32
        %cond3A_435 = arith.cmpi ne, %convert_element_type3A_433, %cond3A_434 : i32
        scf.if %cond3A_435 {
          %add3A_448 = arith.constant 1 : i32
          %add3A_449 = arith.addi %while3A_380, %add3A_448 : i32
          %mul3A_450 = arith.constant 16 : i32
          %mul3A_451 = arith.muli %add3A_449, %mul3A_450 : i32
          %get3A_452 = arith.index_cast %mul3A_451 : i32 to index
          %get3A_453 = tpu.vector_load %arg14[%get3A_452] {strides = array<i32>} : memref<512xi32, #tpu.memory_space<vmem>>, vector<16xi32>,
          %dma_start3A_454 = arith.constant 0 : i32
          %dma_start3A_455 = arith.constant 0 : i32
          %dma_start3A_456 = tpu.memref_slice %arg3[%dma_start3A_454, %dma_start3A_455] : memref<8192x2048xf32, #tpu.memory_space<hbm>> -> memref<8192x2048xf32, #tpu.memory_space<hbm>>
          tpu.enqueue_indirect_dma source(%dma_start3A_456 : memref<8192x2048xf32, #tpu.memory_space<hbm>>) target(%arg15 : memref<16x2048xf32, #tpu.memory_space<vmem>>) offsets(%get3A_453 : vector<16xi32>) semaphore(%arg22 : memref<!tpu.dma_semaphore, #tpu.memory_space<semaphore_mem>>)
        } else {
        }
        %mul3A_436 = arith.constant 16 : i32
        %mul3A_437 = arith.muli %while3A_380, %mul3A_436 : i32
        %get3A_438 = arith.index_cast %mul3A_437 : i32 to index
        %get3A_439 = tpu.vector_load %arg14[%get3A_438] {strides = array<i32>} : memref<512xi32, #tpu.memory_space<vmem>>, vector<16xi32>,
        %dma_wait3A = arith.constant 0 : i32
        %dma_wait3A_440 = arith.constant 0 : i32
        %dma_wait3A_441 = tpu.memref_slice %arg3[%dma_wait3A, %dma_wait3A_440] : memref<8192x2048xf32, #tpu.memory_space<hbm>> -> memref<8192x2048xf32, #tpu.memory_space<hbm>>
        tpu.wait_indirect_dma semaphore(%arg23 : memref<!tpu.dma_semaphore, #tpu.memory_space<semaphore_mem>>) src(%dma_wait3A_441 : memref<8192x2048xf32, #tpu.memory_space<hbm>>) dst(%arg16 : memref<16x2048xf32, #tpu.memory_space<vmem>>)
        %mul3A_442 = arith.constant 16 : i32
        %mul3A_443 = arith.muli %while3A_380, %mul3A_442 : i32
        %add3A_444 = arith.addi %mul3A_171, %mul3A_443 : i32
        %multiple_of3A = tpu.assume_multiple %add3A_444, 8 : i32
        %dma_start3A = arith.constant 0 : i32
        %dma_start3A_445 = tpu.memref_slice %arg5[%multiple_of3A, %dma_start3A] : memref<16384x2048xf32, #tpu.memory_space<hbm>> -> memref<16x2048xf32, #tpu.memory_space<hbm>>
        %dma_start3A_446 = arith.constant 0 : i32
        %dma_start3A_447 = tpu.memref_slice %arg5[%multiple_of3A, %dma_start3A_446] : memref<16384x2048xf32, #tpu.memory_space<hbm>> -> memref<16x2048xf32, #tpu.memory_space<hbm>>
        tpu.enqueue_dma source(%arg16 : memref<16x2048xf32, #tpu.memory_space<vmem>>) target(%dma_start3A_447 : memref<16x2048xf32, #tpu.memory_space<hbm>>) target_semaphore(%arg25 : memref<!tpu.dma_semaphore, #tpu.memory_space<semaphore_mem>>)
      } else {
      }
      %while3A_424 = arith.constant 0 : i32
      scf.yield %while3A_424 : i32
    }
    %ge3A = arith.constant 1 : i32
    %ge3A_315 = arith.cmpi sge, %select_n3A_246, %ge3A : i32
    %jit3A_316 = arith.constant 2 : i32
    %eq3A_317 = arith.constant 0 : i32
    %eq3A_318 = arith.cmpi eq, %jit3A_316, %eq3A_317 : i32
    %jit3A_319 = arith.constant 1 : i32
    %select_n3A_320 = arith.select %eq3A_318, %jit3A_319, %jit3A_316 : i32
    %rem3A_321 = arith.remsi %select_n3A_246, %select_n3A_320 : i32
    %ne3A_322 = arith.constant 0 : i32
    %ne3A_323 = arith.cmpi ne, %rem3A_321, %ne3A_322 : i32
    %lt3A_324 = arith.constant 0 : i32
    %lt3A_325 = arith.cmpi slt, %rem3A_321, %lt3A_324 : i32
    %lt3A_326 = arith.constant 0 : i32
    %lt3A_327 = arith.cmpi slt, %select_n3A_320, %lt3A_326 : i32
    %ne3A_328 = arith.xori %lt3A_325, %lt3A_327 : i1
    %and3A_329 = arith.andi %ne3A_328, %ne3A_323 : i1
    %add3A_330 = arith.addi %rem3A_321, %select_n3A_320 : i32
    %select_n3A_331 = arith.select %and3A_329, %add3A_330, %rem3A_321 : i32
    %eq3A_332 = arith.constant 1 : i32
    %eq3A_333 = arith.cmpi eq, %select_n3A_331, %eq3A_332 : i32
    %and3A_334 = arith.andi %ge3A_315, %eq3A_333 : i1
    %convert_element_type3A_335 = arith.extui %and3A_334 : i1 to i32
    %cond3A_336 = arith.constant 0 : i32
    %cond3A_337 = arith.cmpi ne, %convert_element_type3A_335, %cond3A_336 : i32
    scf.if %cond3A_337 {
      %sub3A_380 = arith.constant 1 : i32
      %sub3A_381 = arith.subi %select_n3A_246, %sub3A_380 : i32
      %mul3A_382 = arith.constant 16 : i32
      %mul3A_383 = arith.muli %sub3A_381, %mul3A_382 : i32
      %add3A_384 = arith.addi %mul3A_171, %mul3A_383 : i32
      %multiple_of3A = tpu.assume_multiple %add3A_384, 8 : i32
      %dma_wait3A = arith.constant 0 : i32
      %dma_wait3A_385 = tpu.memref_slice %arg5[%multiple_of3A, %dma_wait3A] : memref<16384x2048xf32, #tpu.memory_space<hbm>> -> memref<16x2048xf32, #tpu.memory_space<hbm>>
      %dma_wait3A_386 = arith.constant 0 : i32
      %dma_wait3A_387 = tpu.memref_slice %arg5[%multiple_of3A, %dma_wait3A_386] : memref<16384x2048xf32, #tpu.memory_space<hbm>> -> memref<16x2048xf32, #tpu.memory_space<hbm>>
      tpu.wait_dma2 semaphore(%arg24 : memref<!tpu.dma_semaphore, #tpu.memory_space<semaphore_mem>>) src(%arg15 : memref<16x2048xf32, #tpu.memory_space<vmem>>) dst(%dma_wait3A_387 : memref<16x2048xf32, #tpu.memory_space<hbm>>)
    } else {
    }
    %ge3A_338 = arith.constant 1 : i32
    %ge3A_339 = arith.cmpi sge, %select_n3A_246, %ge3A_338 : i32
    %jit3A_340 = arith.constant 2 : i32
    %eq3A_341 = arith.constant 0 : i32
    %eq3A_342 = arith.cmpi eq, %jit3A_340, %eq3A_341 : i32
    %jit3A_343 = arith.constant 1 : i32
    %select_n3A_344 = arith.select %eq3A_342, %jit3A_343, %jit3A_340 : i32
    %rem3A_345 = arith.remsi %select_n3A_246, %select_n3A_344 : i32
    %ne3A_346 = arith.constant 0 : i32
    %ne3A_347 = arith.cmpi ne, %rem3A_345, %ne3A_346 : i32
    %lt3A_348 = arith.constant 0 : i32
    %lt3A_349 = arith.cmpi slt, %rem3A_345, %lt3A_348 : i32
    %lt3A_350 = arith.constant 0 : i32
    %lt3A_351 = arith.cmpi slt, %select_n3A_344, %lt3A_350 : i32
    %ne3A_352 = arith.xori %lt3A_349, %lt3A_351 : i1
    %and3A_353 = arith.andi %ne3A_352, %ne3A_347 : i1
    %add3A_354 = arith.addi %rem3A_345, %select_n3A_344 : i32
    %select_n3A_355 = arith.select %and3A_353, %add3A_354, %rem3A_345 : i32
    %eq3A_356 = arith.constant 0 : i32
    %eq3A_357 = arith.cmpi eq, %select_n3A_355, %eq3A_356 : i32
    %and3A_358 = arith.andi %ge3A_339, %eq3A_357 : i1
    %convert_element_type3A_359 = arith.extui %and3A_358 : i1 to i32
    %cond3A_360 = arith.constant 0 : i32
    %cond3A_361 = arith.cmpi ne, %convert_element_type3A_359, %cond3A_360 : i32
    scf.if %cond3A_361 {
      %sub3A_380 = arith.constant 1 : i32
      %sub3A_381 = arith.subi %select_n3A_246, %sub3A_380 : i32
      %mul3A_382 = arith.constant 16 : i32
      %mul3A_383 = arith.muli %sub3A_381, %mul3A_382 : i32
      %add3A_384 = arith.addi %mul3A_171, %mul3A_383 : i32
      %multiple_of3A = tpu.assume_multiple %add3A_384, 8 : i32
      %dma_wait3A = arith.constant 0 : i32
      %dma_wait3A_385 = tpu.memref_slice %arg5[%multiple_of3A, %dma_wait3A] : memref<16384x2048xf32, #tpu.memory_space<hbm>> -> memref<16x2048xf32, #tpu.memory_space<hbm>>
      %dma_wait3A_386 = arith.constant 0 : i32
      %dma_wait3A_387 = tpu.memref_slice %arg5[%multiple_of3A, %dma_wait3A_386] : memref<16384x2048xf32, #tpu.memory_space<hbm>> -> memref<16x2048xf32, #tpu.memory_space<hbm>>
      tpu.wait_dma2 semaphore(%arg25 : memref<!tpu.dma_semaphore, #tpu.memory_space<semaphore_mem>>) src(%arg16 : memref<16x2048xf32, #tpu.memory_space<vmem>>) dst(%dma_wait3A_387 : memref<16x2048xf32, #tpu.memory_space<hbm>>)
    } else {
    }
    %mul3A_362 = arith.constant 16 : i32
    %mul3A_363 = arith.muli %select_n3A_246, %mul3A_362 : i32
    %lt3A_364 = arith.cmpi slt, %reduce_sum3A_218, %mul3A_363 : i32
    %convert_element_type3A_365 = arith.extui %lt3A_364 : i1 to i32
    %cond3A_366 = arith.constant 0 : i32
    %cond3A_367 = arith.cmpi ne, %convert_element_type3A_365, %cond3A_366 : i32
    scf.if %cond3A_367 {
      %add3A_380 = arith.addi %mul3A_171, %reduce_sum3A_218 : i32
      %add3A_381 = vector.broadcast %add3A_380 : i32 to vector<16xi32>
      %add3A_382 = arith.addi %add3A_381, %iota3A : vector<16xi32>
      %mul3A_383 = arith.constant 16 : i32
      %mul3A_384 = arith.muli %select_n3A_246, %mul3A_383 : i32
      %add3A_385 = arith.addi %mul3A_171, %mul3A_384 : i32
      %sub3A_386 = arith.constant 1 : i32
      %sub3A_387 = arith.subi %add3A_385, %sub3A_386 : i32
      %min3A_388 = vector.broadcast %sub3A_387 : i32 to vector<16xi32>
      %min3A_389 = arith.minsi %add3A_382, %min3A_388 : vector<16xi32>
      %swap3A_390 = arith.constant 0 : index
      %swap3A_391 = tpu.vector_load %arg18[%swap3A_390] {strides = array<i32>} : memref<16xi32, #tpu.memory_space<vmem>>, vector<16xi32>,
      tpu.vector_store %arg18[%swap3A_390], %min3A_389 {strides = array<i32>} : memref<16xi32, #tpu.memory_space<vmem>>, vector<16xi32>,
      %dma_start3A = arith.constant 0 : i32
      %dma_start3A_392 = arith.constant 0 : i32
      %dma_start3A_393 = tpu.memref_slice %arg5[%dma_start3A, %dma_start3A_392] : memref<16384x2048xf32, #tpu.memory_space<hbm>> -> memref<16384x2048xf32, #tpu.memory_space<hbm>>
      tpu.enqueue_indirect_dma source(%arg17 : memref<16x2048xf32, #tpu.memory_space<vmem>>) target(%dma_start3A_393 : memref<16384x2048xf32, #tpu.memory_space<hbm>>) offsets(%arg18 : memref<16xi32, #tpu.memory_space<vmem>>) semaphore(%arg26 : memref<!tpu.dma_semaphore, #tpu.memory_space<semaphore_mem>>)
      %dma_wait3A = arith.constant 0 : i32
      %dma_wait3A_394 = arith.constant 0 : i32
      %dma_wait3A_395 = tpu.memref_slice %arg5[%dma_wait3A, %dma_wait3A_394] : memref<16384x2048xf32, #tpu.memory_space<hbm>> -> memref<16384x2048xf32, #tpu.memory_space<hbm>>
      tpu.wait_indirect_dma semaphore(%arg26 : memref<!tpu.dma_semaphore, #tpu.memory_space<semaphore_mem>>) src(%arg17 : memref<16x2048xf32, #tpu.memory_space<vmem>>) dst(%dma_wait3A_395 : memref<16384x2048xf32, #tpu.memory_space<hbm>>)
    } else {
    }
    %while3A_368 = arith.constant 0 : i32
    %while3A_369 = arith.constant 0 : i32
    %while3A_370 = arith.subi %select_n3A_274, %while3A_368 : i32
    %while3A_371 = arith.addi %while3A_368, %while3A_370 : i32
    %while3A_372 = arith.constant 1 : i32
    %while3A_373 = arith.divsi %while3A_370, %while3A_372 : i32
    %while3A_374 = arith.muli %while3A_373, %while3A_372 : i32
    %while3A_375 = arith.addi %while3A_368, %while3A_374 : i32
    %while3A_376 = arith.constant 1 : i32
    %while3A_377 = scf.for %while3A_380 = %while3A_368 to %while3A_375 step %while3A_376 iter_args(%while3A_381 = %while3A_369) -> (i32)  : i32 {
      %add3A_382 = arith.addi %select_n3A_246, %while3A_380 : i32
      %mul3A_383 = arith.constant 16 : i32
      %mul3A_384 = arith.muli %add3A_382, %mul3A_383 : i32
      %add3A_385 = arith.addi %mul3A_171, %mul3A_384 : i32
      %multiple_of3A = tpu.assume_multiple %add3A_385, 8 : i32
      %dma_wait3A = arith.constant 0 : i32
      %dma_wait3A_386 = tpu.memref_slice %arg5[%multiple_of3A, %dma_wait3A] : memref<16384x2048xf32, #tpu.memory_space<hbm>> -> memref<16x2048xf32, #tpu.memory_space<hbm>>
      %dma_wait3A_387 = arith.constant 0 : i32
      %dma_wait3A_388 = tpu.memref_slice %arg5[%multiple_of3A, %dma_wait3A_387] : memref<16384x2048xf32, #tpu.memory_space<hbm>> -> memref<16x2048xf32, #tpu.memory_space<hbm>>
      tpu.wait_dma2 semaphore(%arg26 : memref<!tpu.dma_semaphore, #tpu.memory_space<semaphore_mem>>) src(%arg17 : memref<16x2048xf32, #tpu.memory_space<vmem>>) dst(%dma_wait3A_388 : memref<16x2048xf32, #tpu.memory_space<hbm>>)
      %while3A_389 = arith.constant 0 : i32
      scf.yield %while3A_389 : i32
    }
    %while3A_378 = arith.constant 1 : i32
    %while3A_379 = scf.for %while3A_380 = %while3A_375 to %while3A_371 step %while3A_378 iter_args(%while3A_381 = %while3A_377) -> (i32)  : i32 {
      %add3A_382 = arith.addi %select_n3A_246, %while3A_380 : i32
      %mul3A_383 = arith.constant 16 : i32
      %mul3A_384 = arith.muli %add3A_382, %mul3A_383 : i32
      %add3A_385 = arith.addi %mul3A_171, %mul3A_384 : i32
      %multiple_of3A = tpu.assume_multiple %add3A_385, 8 : i32
      %dma_wait3A = arith.constant 0 : i32
      %dma_wait3A_386 = tpu.memref_slice %arg5[%multiple_of3A, %dma_wait3A] : memref<16384x2048xf32, #tpu.memory_space<hbm>> -> memref<16x2048xf32, #tpu.memory_space<hbm>>
      %dma_wait3A_387 = arith.constant 0 : i32
      %dma_wait3A_388 = tpu.memref_slice %arg5[%multiple_of3A, %dma_wait3A_387] : memref<16384x2048xf32, #tpu.memory_space<hbm>> -> memref<16x2048xf32, #tpu.memory_space<hbm>>
      tpu.wait_dma2 semaphore(%arg26 : memref<!tpu.dma_semaphore, #tpu.memory_space<semaphore_mem>>) src(%arg17 : memref<16x2048xf32, #tpu.memory_space<vmem>>) dst(%dma_wait3A_388 : memref<16x2048xf32, #tpu.memory_space<hbm>>)
      %while3A_389 = arith.constant 0 : i32
      scf.yield %while3A_389 : i32
    }
    return
  }
}

</mosaic_0001>

<sc_bundles>
// kernel: kernel.3.cloned.1.call-start
scs
__scs_entry_jumppad:
0x0: {  	(pc) =	sbr.rel $0x88, $3  }
0x1: {  	(tag) =	ssettag $0x0;
	lr =	simm.s32 $0x1  }
0x2: {  	[smem:$0x3F9F] =	sst lr;
	_ =	strace $0xD0000000  }
0x3: {  	_ = 	snop  }
0x4: {  	_ = 	snop  }
0x5: {  	_ = 	snop  }
0x6: {  	_ = 	snop  }
0x7: {  	_ = 	snop  }
__scs_overlays_trampoline_lowered:
0x8: {  	[smem:$0x3FAE] =	sst s0  }
0x9: {  	[smem:$0x3FAF] =	sst s1  }
0xa: {  	[smem:$0x3FB0] =	sst s2  }
0xb: {  	[smem:$0x3FB1] =	sst s3  }
0xc: {  	[smem:$0x3FB2] =	sst s4  }
0xd: {  	[smem:$0x3FB3] =	sst s5  }
0xe: {  	[smem:$0x3FB4] =	sst s6  }
0xf: {  	[smem:$0x3FB5] =	sst s7  }
0x10: {  	[smem:$0x3FB6] =	sst s8  }
0x11: {  	[smem:$0x3FB7] =	sst s9;
	s0 =	simm.s32 @!p0 $0x0  }
0x12: {  	s1 =	sld [smem:$0x3F9D];
	s0 =	simm.s32 @p0 $0x1  }
0x13: {  	[smem:$0x3FB8] =	sst s0;
	s0 =	simm.s32 @!p1 $0x0  }
0x14: {  	s2 =	sld [smem:$0x3F9C];
	s0 =	simm.s32 @p1 $0x1  }
0x15: {  	[smem:$0x3FB9] =	sst s0;
	s0 =	simm.s32 @!p2 $0x0  }
0x16: {  	s3 =	sld [smem:$0x3FDB];
	s0 =	simm.s32 @p2 $0x1  }
0x17: {  	s4 =	simm.s32 $0x1BF5;
	[smem:$0x3FBB] =	sst s0  }
0x18: {  	s0 =	sld [smem:$0x3F9E];
	_ =	swait.ge [sflag:s4], $0x0  }
0x19: {  	s7 =	sld [smem:$0x3F9F]  }
0x1a: {  	s8 =	sadd.s32 $0xFFFFE003, lr  }
0x1b: {  	s9 =	sadd.s32 $0xFFFFFEF7, lr;
	s5 =	simm.s32 $0xFFFFFFFF;
	p2 =	slt.u32 s8, $0xFFFFF086  }
0x1c: {  	p1 =	slt.u32 s9, $0xF7A;
	s5 =	simm.s32 @!p2 $0x0  }
0x1d: {  	s5 =	simm.s32 @p1 $0x1;
	p0 =	seq.s32 s7, s2  }
0x1e: {  	s7 =	smul.u32 @!p0 $0xF7A, s2;
	p2 =	seq.s32 @!p0 s5, $0x0  }
0x1f: {  	s9 =	smul.u32 $0xF7A, s1;
	s8 =	simm.s32 @!p0 $0x1BF5;
	p2 =	por !p2, p0  }
0x20: {  	[sflag:s8] =	ssyncset.s32 @!p0 $0xFFFFF086;
	s6 =	sadd.s32 @!p0 s3, s7;
	s7 =	simm.s32 @!p0 $0x108  }
0x21: {  	s3 =	sadd.s32 s3, s9;
	s6 =	sadd.s32 @!p0 $0x88, s6;
	s7 =	simm.s32 @p2 $0x1082  }
0x22: {  	[simem:s7], [sflag:s8] =	dma.local @!p0 [hbm:s6], $0xF7A  }
0x23: {  	s9 =	sor.u32 $0xD0000000, s2;
	s6 =	simm.s32 $0x108;
	_ =	swait.ge @!p0 [sflag:s8], $0x0  }
0x24: {  	s3 =	sadd.s32 $0x88, s3;
	s6 =	simm.s32 @!p1 $0x1082;
	[sflag:s4] =	ssyncset.s32 $0xFFFFF086  }
0x25: {  	[simem:s6], [sflag:s4] =	dma.local [hbm:s3], $0xF7A  }
0x26: {  	[smem:$0x3F9F] =	sst s1;
	(tag) =	ssettag s2;
	_ =	strace s9  }
0x27: {  	s1 =	sld [smem:$0x3FAF]  }
0x28: {  	s2 =	sld [smem:$0x3FB0]  }
0x29: {  	s4 =	sld [smem:$0x3FB2]  }
0x2a: {  	p0 =	seq.s32 s5, $0x0;
	s5 =	sld [smem:$0x3FB3]  }
0x2b: {  	s6 =	sld [smem:$0x3FB4]  }
0x2c: {  	s7 =	sld [smem:$0x3FB5]  }
0x2d: {  	s3 =	simm.s32 $0x108;
	s8 =	sld [smem:$0x3FB6]  }
0x2e: {  	s3 =	simm.s32 @!p0 $0x1082;
	s9 =	sld [smem:$0x3FB7]  }
0x2f: {  	lr =	sadd.s32 s0, s3;
	s0 =	sld [smem:$0x3FAE]  }
0x30: {  	s3 =	sld [smem:$0x3FB1]  }
0x31: {  	[smem:$0x3FBA] =	sst s10  }
0x32: {  	s10 =	sld [smem:$0x3FB8];
	_ =	sdelay $0x3  }
0x33: {  	p0 =	seq.s32 s10, $0x1;
	s10 =	sld [smem:$0x3FBA];
	_ =	sdelay $0x3  }
0x34: {  	[smem:$0x3FBA] =	sst s10  }
0x35: {  	s10 =	sld [smem:$0x3FB9];
	_ =	sdelay $0x3  }
0x36: {  	p1 =	seq.s32 s10, $0x1;
	s10 =	sld [smem:$0x3FBA];
	_ =	sdelay $0x3  }
0x37: {  	[smem:$0x3FBA] =	sst s10  }
0x38: {  	s10 =	sld [smem:$0x3FBB]  }
0x39: {  	_ = 	snop;
	(pc) =	sbr.ind lr, $3  }
0x3a: {  	_ = 	snop  }
0x3b: {  	_ = 	snop  }
0x3c: {  	p2 =	seq.s32 s10, $0x1;
	s10 =	sld [smem:$0x3FBA]  }
0x3d: {  	_ =	shalt  }
0x3e: {  	_ =	shalt  }
0x3f: {  	_ =	shalt  }
0x40: {  	_ =	shalt  }
0x41: {  	_ =	shalt  }
0x42: {  	_ =	shalt  }
0x43: {  	_ =	shalt  }
0x44: {  	_ =	shalt  }
0x45: {  	_ =	shalt  }
0x46: {  	_ =	shalt  }
0x47: {  	_ =	shalt  }
0x48: {  	_ =	shalt  }
0x49: {  	_ =	shalt  }
0x4a: {  	_ =	shalt  }
0x4b: {  	_ =	shalt  }
0x4c: {  	_ =	shalt  }
0x4d: {  	_ =	shalt  }
0x4e: {  	_ =	shalt  }
0x4f: {  	_ =	shalt  }
0x50: {  	_ =	shalt  }
0x51: {  	_ =	shalt  }
0x52: {  	_ =	shalt  }
0x53: {  	_ =	shalt  }
0x54: {  	_ =	shalt  }
0x55: {  	_ =	shalt  }
0x56: {  	_ =	shalt  }
0x57: {  	_ =	shalt  }
0x58: {  	_ =	shalt  }
0x59: {  	_ =	shalt  }
0x5a: {  	_ =	shalt  }
0x5b: {  	_ =	shalt  }
0x5c: {  	_ =	shalt  }
0x5d: {  	_ =	shalt  }
0x5e: {  	_ =	shalt  }
0x5f: {  	_ =	shalt  }
0x60: {  	_ =	shalt  }
0x61: {  	_ =	shalt  }
0x62: {  	_ =	shalt  }
0x63: {  	_ =	shalt  }
0x64: {  	_ =	shalt  }
0x65: {  	_ =	shalt  }
0x66: {  	_ =	shalt  }
0x67: {  	_ =	shalt  }
0x68: {  	_ =	shalt  }
0x69: {  	_ =	shalt  }
0x6a: {  	_ =	shalt  }
0x6b: {  	_ =	shalt  }
0x6c: {  	_ =	shalt  }
0x6d: {  	_ =	shalt  }
0x6e: {  	_ =	shalt  }
0x6f: {  	_ =	shalt  }
0x70: {  	_ =	shalt  }
0x71: {  	_ =	shalt  }
0x72: {  	_ =	shalt  }
0x73: {  	_ =	shalt  }
0x74: {  	_ =	shalt  }
0x75: {  	_ =	shalt  }
0x76: {  	_ =	shalt  }
0x77: {  	_ =	shalt  }
0x78: {  	_ =	shalt  }
0x79: {  	_ =	shalt  }
0x7a: {  	_ =	shalt  }
0x7b: {  	_ =	shalt  }
0x7c: {  	_ =	shalt  }
0x7d: {  	_ =	shalt  }
0x7e: {  	_ =	shalt  }
0x7f: {  	_ =	shalt  }
0x80: {  	_ =	shalt  }
0x81: {  	_ =	shalt  }
0x82: {  	_ =	shalt  }
0x83: {  	_ =	shalt  }
0x84: {  	_ =	shalt  }
0x85: {  	_ =	shalt  }
0x86: {  	_ =	shalt  }
0x87: {  	_ =	shalt  }
.Lfunc_end0:
.L_simem_size_0:
called_computation_lowered:
.L_overlay_start_0:
0x88: {  	s2 =	sld [smem:$0x3FD9]  }
0x89: {  	s3 =	sld [smem:$0x3FFE];
	_ =	sdelay $0x1  }
0x8a: {  	s1 =	srdreg.scid  }
0x8b: {  	s0 =	sand.u32 $0x1, s1  }
0x8c: {  	s17 =	sshll.u32 s0, $0xA;
	s2 =	sadd.s32 s3, s2  }
0x8d: {  	s2 =	sadd.s32 s2, s17  }
0x8e: {  	[smem:$0x3FC6] =	sst s2  }
0x8f: {  	_ = 	snop  }
0x90: {  	s2 =	sld [smem:$0x3FC9]  }
0x91: {  	s18 =	sld [smem:$0x3FD0];
	(tm) =	ssettm $0x1  }
0x92: {  	s4 =	sld [smem:$0x3FFB];
	_ =	sdelay $0x3  }
0x93: {  	_ =	strace s4  }
0x94: {  	s4 =	sld [smem:$0x3FFC];
	_ =	sdelay $0x3  }
0x95: {  	_ =	strace s4  }
0x96: {  	s4 =	sld [smem:$0x3FFD];
	_ =	sdelay $0x3  }
0x97: {  	_ =	strace s4  }
0x98: {  	_ =	strace $0x8FFFFFFF  }
0x99: {  	s19 =	sld [smem:$0x3FDB];
	_ =	sdelay $0x1  }
0x9a: {  	s5 =	simm.s32 $_scs_section_size  }
0x9b: {  	s6 =	simm.s32 $_size__tile_overlayer_lowered;
	s7 =	simm.s32 $_tile_overlayer_lowered  }
0x9c: {  	s22 =	simm.s32 $0x1BFF;
	s21 =	sshll.u32 s7, $0x1;
	s4 =	sadd.s32 s5, s19  }
0x9d: {  	s8 =	simm.s32 $0x0;
	s20 =	sshll.u32 s6, $0x1;
	s6 =	sadd.s32 s21, s4  }
0x9e: {  	[timem:s8], [sflag:s22] =	dma.local [hbm:s6], s20  }
0x9f: {  	_ =	swait.ge [sflag:s22], s20  }
0xa0: {  	s5 =	ssub.s32 $0x0, s20;
	[sflag:s22] =	ssyncset.done $0x0  }
0xa1: {  	[sflag:s22] =	ssyncadd.s32 s5;
	_ =	sdelay $0x1  }
0xa2: {  	s23 =	simm.s32 $0x1B8B  }
0xa3: {  	_ =	swait.ge [sflag:s23], $0x1  }
0xa4: {  	[sflag:s23] =	ssyncset.done $0x0  }
0xa5: {  	s25 =	simm.s32 $0x1B8E;
	s24 =	sld [smem:$0x3FFE];
	[sflag:s23] =	ssyncadd.s32 $0xFFFFFFFF  }
0xa6: {  	s26 =	simm.s32 $execute0_lowered;
	[smem:$0x3FD2] =	sst s25  }
0xa7: {  	s6 =	sshll.u32 s26, $0x1;
	_ =	strace $0x80000046;
	[dreg:$0x1] =	wrdreg $0xFFFFFFFF  }
0xa8: {  	s28 =	simm.s32 $_size_execute0_lowered;
	s4 =	sadd.s32 s4, s6;
	[dreg:$0x0] =	wrdreg $0x0  }
0xa9: {  	s6 =	sshll.u32 s28, $0x1;
	[dreg:$0x2] =	wrdreg s4  }
0xaa: {  	[dreg:$0x3] =	wrdreg s6  }
0xab: {  	[dreg:$0x4] =	wrdreg $0xC0  }
0xac: {  	_ =	task [dreg:s8], $0x5FFFF  }
0xad: {  	[dreg:$0x1] =	wrdreg $0xFFFFFFFF  }
0xae: {  	[dreg:$0x0] =	wrdreg $0x60  }
0xaf: {  	[dreg:$0x2] =	wrdreg s24  }
0xb0: {  	[dreg:$0x3] =	wrdreg s2  }
0xb1: {  	[dreg:$0x4] =	wrdreg s18  }
0xb2: {  	[dreg:$0x5] =	wrdreg $0x1E8800  }
0xb3: {  	[dreg:$0x6] =	wrdreg $0x1E8900  }
0xb4: {  	[dreg:$0x7] =	wrdreg $0x1EA900  }
0xb5: {  	[dreg:$0x8] =	wrdreg $0x9  }
0xb6: {  	_ =	task.clear_ibuf [dreg:s8], $0x9FFFF;
	_ =	strace $0x90000046  }
0xb7: {  	s29 =	simm.s32 $0x9;
	_ =	strace $0x80000048  }
0xb8: {  	_ =	swait.ge [sflag:s29], $0x1  }
0xb9: {  	[sflag:s29] =	ssyncadd.s32 $0xFFFFFFFF  }
0xba: {  	_ =	strace $0x90000048  }
0xbb: {  	_ =	sfence  }
0xbc: {  	s30 =	sld [smem:$0x0];
	_ =	sdelay $0x2  }
0xbd: {  	s31 =	sshll.u32 s1, $0xD;
	s1 =	sshrl.u32 s1, $0x2  }
0xbe: {  	s3 =	sand.u32 $0x4000, s31;
	s1 =	sadd.s32 s1, s30  }
0xbf: {  	s0 =	sor.u32 s3, s0;
	s1 =	sshll.u32 s1, $0x11  }
0xc0: {  	s0 =	sor.u32 s1, s0  }
0xc1: {  	s0 =	sadd.s32 $0x8F2B, s0  }
0xc2: {  	[sflag:s0] =	ssyncadd.remote.s32 $0x1  }
0xc3: {  	_ =	sfence.sel $0xFFFF  }
0xc4: {  	[dreg:$0x0] =	wrdreg $0xFFFFFFFF;
	(pc) =	sbr.abs _section_cstart, $3  }
0xc5: {  	[dreg:$0x1] =	wrdreg $0xFFFFFFFF  }
0xc6: {  	_ =	task.clear_ibuf [dreg:s8], $0x2FFFF;
	_ =	strace $0x9FFFFFFF  }
0xc7: {  	(tm) =	ssettm $0x7FFFFFFF  }
tec
execute0_lowered:
.L_overlay_start_1:
0x0: {  	(tag) =	ssettag $0x1  }
0x1: {  	s0 =	rddreg [dreg:$0x0]  }
0x2: {  	s1 =	rddreg [dreg:$0x1]  }
0x3: {  	s2 =	rddreg [dreg:$0x2]  }
0x4: {  	s9 =	rddreg [dreg:$0x3]  }
0x5: {  	s10 =	rddreg [dreg:$0x4]  }
0x6: {  	s11 =	rddreg [dreg:$0x5];
	s7 =	simm.s32 $0x0;
	vm0 =	vmmov $0x1fff;
	v7 =	vimm.s32 $0x0  }
0x7: {  	s3 =	srdreg.scid;
	[smem:$0x7FF] =	sst s7;
	v7 =	vsel vm0, $0xFFFFFFFF, v7  }
0x8: {  	s12 =	stileid.u32;
	vm12 =	vmmov $0x3;
	s3 =	sand.u32 $0x1, s3;
	_ =	strace $0x80000047;
	[tilespmem:$0x1FF30] =	vst v7;
	v7 =	vimm.s32 $0x0  }
0x9: {  	s4 =	sshll.u32 s12, $0xA;
	s31 =	sshll.u32 s12, $0x4;
	s6 =	sand.u32 $0x1, s12;
	v7 =	vsel vm12, $0xFFFFFFFF, v7  }
0xa: {  	vm11 =	vmmov $0x7;
	s8 =	sshll.u32 s12, $0x9;
	s15 =	sadd.s32 $0x100, s1;
	s16 =	sadd.s32 $0x200, s1;
	[tilespmem:$0x1FF40] =	vst v7;
	v7 =	vimm.s32 $0x0  }
0xb: {  	s17 =	sadd.s32 $0x300, s1;
	s18 =	sadd.s32 $0x400, s1;
	s22 =	sshll.u32 s12, $0x14;
	v7 =	vsel vm11, $0xFFFFFFFF, v7  }
0xc: {  	vm10 =	vmmov $0xf;
	s19 =	sadd.s32 $0x500, s1;
	s24 =	sadd.s32 $0x100, s2;
	s25 =	sadd.s32 $0x200, s2;
	[tilespmem:$0x1FF50] =	vst v7;
	v7 =	vimm.s32 $0x0  }
0xd: {  	s26 =	sadd.s32 $0x300, s2;
	s28 =	sadd.s32 $0x400, s2;
	[dreg:$0x10] =	wrdreg s24;
	v7 =	vsel vm10, $0xFFFFFFFF, v7  }
0xe: {  	vm13 =	vmmov $0x1;
	s5 =	ssub.s32 $0x2, s3;
	s4 =	sadd.s32 s4, s0;
	[dreg:$0x11] =	wrdreg s25;
	[tilespmem:$0x1FF60] =	vst v7;
	v7 =	vimm.s32 $0x0  }
0xf: {  	s0 =	sadd.s32 $0x4400, s0;
	s30 =	sshll.u32 s3, $0x4;
	[dreg:$0x12] =	wrdreg s26;
	v7 =	vsel vm13, $0xFFFFFFFF, v7  }
0x10: {  	vm3 =	vmmov $0x7f;
	p1 =	seq.s32 s6, $0x1;
	s10 =	sadd.s32 s8, s10;
	[dreg:$0x13] =	wrdreg s28;
	[tilespmem:$0x1FF70] =	vst v7;
	v7 =	vimm.s32 $0x0  }
0x11: {  	s11 =	sadd.s32 s8, s11;
	s8 =	sand.u32 $0x200, s8;
	[dreg:$0x7] =	wrdreg s0;
	v7 =	vsel vm3, $0xFFFFFFFF, v7  }
0x12: {  	vm7 =	vmmov $0xff;
	s3 =	sshll.u32 s3, $0x18;
	s6 =	simm.s32 $0x6;
	[dreg:$0xa] =	wrdreg s10;
	[tilespmem:$0x1FF80] =	vst v7;
	v7 =	vimm.s32 $0x0  }
0x13: {  	s29 =	sshrl.u32 s5, $0x1;
	s4 =	sadd.s32 $0x400, s4;
	[dreg:$0xb] =	wrdreg s11;
	v7 =	vsel vm7, $0xFFFFFFFF, v7  }
0x14: {  	vm5 =	vmmov $0x1ff;
	s3 =	sor.u32 s22, s3;
	s22 =	sadd.s32 $0x700, s1;
	v1 =	vmov s8;
	s8 =	simm.s32 $0x3;
	[tilespmem:$0x1FF90] =	vst v7;
	v7 =	vimm.s32 $0x0  }
0x15: {  	s10 =	simm.s32 $0xE800;
	s11 =	simm.s32 $0x5;
	s0 =	ssub.s32 s5, s29;
	v7 =	vsel vm5, $0xFFFFFFFF, v7  }
0x16: {  	vm6 =	vmmov $0x3ff;
	[dreg:$0x8] =	wrdreg s4;
	s4 =	sor.u32 s12, s30;
	s5 =	sadd.s32 s31, s9;
	[tilespmem:$0x1FFA0] =	vst v7;
	v7 =	vimm.s32 $0x0  }
0x17: {  	[dreg:$0xd] =	wrdreg s3;
	s29 =	sadd.s32 $0x500, s2;
	s30 =	sadd.s32 $0x600, s2;
	v7 =	vsel vm6, $0xFFFFFFFF, v7  }
0x18: {  	vm8 =	vmmov $0x7ff;
	s31 =	sadd.s32 $0x700, s2;
	s3 =	simm.s32 $0x16800;
	s9 =	simm.s32 $0x2;
	[tilespmem:$0x1FFB0] =	vst v7;
	v7 =	vimm.s32 $0x0  }
0x19: {  	v2 =	vmov s12;
	s12 =	simm.s32 $0x0;
	p0 =	seq.s32 s4, $0x0;
	[dreg:$0x9] =	wrdreg s5;
	v7 =	vsel vm8, $0xFFFFFFFF, v7  }
0x1a: {  	vm9 =	vmmov $0x3fff;
	s5 =	simm.s32 $0x1;
	s13 =	sshll.u32 s4, $0x9;
	[dreg:$0x14] =	wrdreg s29;
	[tilespmem:$0x1FFC0] =	vst v7;
	v7 =	vimm.s32 $0x0  }
0x1b: {  	s20 =	sshrl.u32 s4, $0x1;
	s0 =	smax.u32 s0, $0x1;
	[dreg:$0x15] =	wrdreg s30;
	v7 =	vsel vm9, $0xFFFFFFFF, v7  }
.Ltmp0:
0x1c: {  	vm4 =	vmmov $0xfff;
	[dreg:$0x16] =	wrdreg s31;
	p0 =	por !p0, !p1;
	[tilespmem:$0x1FFD0] =	vst v7;
	v7 =	vimm.s32 $0x0;
	(pc) =	sbr.rel .LBB2_1-.Ltmp0, $4  }
0x1d: {  	v3 =	vlaneseq.u32;
	s14 =	sshll.u32 s4, $0x14;
	[dreg:$0xe] =	wrdreg s0;
	p0 =	por !p0, !p0;
	v7 =	vsel vm4, $0xFFFFFFFF, v7  }
0x1e: {  	v4 =	vimm.s32 $0x0;
	vm0 =	vmmov $0x7fff;
	[dreg:$0xc] =	wrdreg s13;
	s23 =	sadd.s32 $0xFFFFFFFF, s13;
	s5 =	simm.s32 @!p0 $0x0;
	[tilespmem:$0x1FFE0] =	vst v7;
	v7 =	vimm.s32 $0x0  }
0x1f: {  	v6 =	vimm.s32 $0x10;
	vm14 =	vmmov $0x1f;
	s4 =	simm.s32 $0x2400;
	[dreg:$0xf] =	wrdreg s23;
	s21 =	ssub.s32 s20, s5;
	v7 =	vsel vm0, $0xFFFFFFFF, v7  }
0x20: {  	vm15 =	vmmov $0x3f;
	v5 =	vmul.u32 $0x10, v3;
	s20 =	sadd.s32 $0x600, s1;
	s5 =	simm.s32 $0x2480;
	v0 =	vmov s21;
	s21 =	simm.s32 $0x6600;
	[tilespmem:$0x1FFF0] =	vst v7  }
.LBB2_20:
0x21: {  	[sflag:s11] =	ssyncadd.s32 $0xFFFF8000  }
.LBB2_21:
0x22: {  	s12 =	sadd.s32 $0x1, s12;
	s0 =	rddreg [dreg:$0xe]  }
0x23: {  	p0 =	sne.s32 s12, s0  }
.Ltmp1:
0x24: {  	_ = 	snop;
	(pc) =	sbr.rel @!p0 .LBB2_22-.Ltmp1, $1  }
0x25: {  	_ =	sdelay $0x3  }
.LBB2_1:
0x26: {  	s0 =	rddreg [dreg:$0x8]  }
0x27: {  	[tilespmem:s7], [sflag:$0x6] =	stream.linear.gather [hbm4b:s0+s7], $0x2000, $0x38;
	[tilespmem:$0x1EC90] =	vst v63  }
0x28: {  	_ =	swait.ge [sflag:s6], $0x2000  }
0x29: {  	v7 =	vmov s7;
	[sflag:s6] =	ssyncset.done $0x0  }
0x2a: {  	v7 =	vshll.u32 v7, $0x4;
	s31 =	rddreg [dreg:$0x7];
	[sflag:s6] =	ssyncadd.s32 $0xFFFFE000  }
0x2b: {  	v7 =	vor.u32 v5, v7;
	[tilespmem:s3], [sflag:$0x6] =	stream.linear.gather [hbm4b:s31+s7], $0x8000, $0x38;
	[tilespmem:$0x1EC90] =	vst v63  }
0x2c: {  	v8 =	vor.u32 $0x1, v7;
	_ =	swait.ge [sflag:s6], $0x8000  }
0x2d: {  	v9 =	vor.u32 $0x2, v7;
	[sflag:s6] =	ssyncset.done $0x0  }
0x2e: {  	v10 =	vor.u32 $0x3, v7;
	[sflag:s6] =	ssyncadd.s32 $0xFFFF8000  }
0x2f: {  	v11 =	vor.u32 $0x4, v7;
	[tilespmem:$0x2400] =	vst v4  }
0x30: {  	v12 =	vor.u32 $0x5, v7;
	v13 =	vld.idx.msk [tilespmem:v7+s7+$0x0], $0xffff  }
0x31: {  	v14 =	vor.u32 $0x6, v7;
	v8 =	vld.idx.msk [tilespmem:v8+s7+$0x0], $0xffff  }
0x32: {  	v15 =	vor.u32 $0x7, v7;
	v9 =	vld.idx.msk [tilespmem:v9+s7+$0x0], $0xffff  }
0x33: {  	v16 =	vor.u32 $0x8, v7;
	v10 =	vld.idx.msk [tilespmem:v10+s7+$0x0], $0xffff  }
0x34: {  	v17 =	vor.u32 $0x9, v7;
	v11 =	vld.idx.msk [tilespmem:v11+s7+$0x0], $0xffff  }
0x35: {  	v18 =	vor.u32 $0xA, v7;
	v12 =	vld.idx.msk [tilespmem:v12+s7+$0x0], $0xffff  }
0x36: {  	v19 =	vor.u32 $0xB, v7;
	v14 =	vld.idx.msk [tilespmem:v14+s7+$0x0], $0xffff;
	v20 =	vmax.f32 v13, v8  }
0x37: {  	v21 =	vor.u32 $0xC, v7;
	v15 =	vld.idx.msk [tilespmem:v15+s7+$0x0], $0xffff;
	v20 =	vmax.f32 v20, v9  }
0x38: {  	v22 =	vor.u32 $0xD, v7;
	v16 =	vld.idx.msk [tilespmem:v16+s7+$0x0], $0xffff;
	v20 =	vmax.f32 v20, v10  }
0x39: {  	v23 =	vor.u32 $0xE, v7;
	v17 =	vld.idx.msk [tilespmem:v17+s7+$0x0], $0xffff;
	v20 =	vmax.f32 v20, v11  }
0x3a: {  	v7 =	vor.u32 $0xF, v7;
	v18 =	vld.idx.msk [tilespmem:v18+s7+$0x0], $0xffff;
	v20 =	vmax.f32 v20, v12  }
0x3b: {  	v19 =	vld.idx.msk [tilespmem:v19+s7+$0x0], $0xffff;
	v20 =	vmax.f32 v20, v14  }
0x3c: {  	v21 =	vld.idx.msk [tilespmem:v21+s7+$0x0], $0xffff;
	v20 =	vmax.f32 v20, v15  }
0x3d: {  	v22 =	vld.idx.msk [tilespmem:v22+s7+$0x0], $0xffff;
	v20 =	vmax.f32 v20, v16  }
0x3e: {  	v23 =	vld.idx.msk [tilespmem:v23+s7+$0x0], $0xffff;
	v20 =	vmax.f32 v20, v17  }
0x3f: {  	v7 =	vld.idx.msk [tilespmem:v7+s7+$0x0], $0xffff;
	v20 =	vmax.f32 v20, v18  }
0x40: {  	v20 =	vmax.f32 v20, v19  }
0x41: {  	v20 =	vmax.f32 v20, v21  }
0x42: {  	v20 =	vmax.f32 v20, v22  }
0x43: {  	v20 =	vmax.f32 v20, v23  }
0x44: {  	v20 =	vmax.f32 v20, v7  }
0x45: {  	vm0 =	veq.f32 v7, v20  }
0x46: {  	v7 =	vsel vm0, $0xF, v6;
	vm0 =	veq.f32 v23, v20  }
0x47: {  	v7 =	vsel vm0, $0xE, v7;
	vm0 =	veq.f32 v22, v20  }
0x48: {  	v7 =	vsel vm0, $0xD, v7;
	vm0 =	veq.f32 v21, v20  }
0x49: {  	v7 =	vsel vm0, $0xC, v7;
	vm0 =	veq.f32 v19, v20  }
0x4a: {  	v7 =	vsel vm0, $0xB, v7;
	vm0 =	veq.f32 v18, v20  }
0x4b: {  	v7 =	vsel vm0, $0xA, v7;
	vm0 =	veq.f32 v17, v20  }
0x4c: {  	vm1 =	veq.f32 v16, v20;
	v7 =	vsel vm0, $0x9, v7  }
0x4d: {  	vm0 =	veq.f32 v15, v20;
	v7 =	vsel vm1, $0x8, v7  }
0x4e: {  	vm1 =	veq.f32 v14, v20;
	v7 =	vsel vm0, $0x7, v7  }
0x4f: {  	vm0 =	veq.f32 v12, v20;
	v7 =	vsel vm1, $0x6, v7  }
0x50: {  	vm1 =	veq.f32 v11, v20;
	v7 =	vsel vm0, $0x5, v7  }
0x51: {  	vm0 =	veq.f32 v10, v20;
	v7 =	vsel vm1, $0x4, v7  }
0x52: {  	vm1 =	veq.f32 v9, v20;
	v7 =	vsel vm0, $0x3, v7  }
0x53: {  	vm0 =	veq.f32 v8, v20;
	v7 =	vsel vm1, $0x2, v7  }
0x54: {  	vm1 =	veq.f32 v13, v20;
	v7 =	vsel vm0, $0x1, v7  }
0x55: {  	v7 =	vsel vm1, $0x0, v7  }
0x56: {  	vm6 =	veq.s32 v7, $0x0  }
0x57: {  	vm1 =	veq.s32 v7, $0x2;
	v8 =	vsel vm6, $0x1, v4  }
0x58: {  	vm9 =	veq.s32 v7, $0x1;
	v9 =	vsel vm1, $0x1, v4;
	(xrf0) =	vadd.scan.msk.s32 $0xffff, v8  }
0x59: {  	vm2 =	veq.s32 v7, $0x3;
	v8 =	vsel vm9, $0x1, v4;
	(xrf0) =	vadd.scan.msk.s32 $0xffff, v9  }
0x5a: {  	vm0 =	veq.s32 v7, $0x4;
	v9 =	vsel vm2, $0x1, v4;
	(xrf0) =	vadd.scan.msk.s32 $0xffff, v8  }
0x5b: {  	vm8 =	veq.s32 v7, $0x5;
	v8 =	vsel vm0, $0x1, v4;
	(xrf0) =	vadd.scan.msk.s32 $0xffff, v9  }
0x5c: {  	vm3 =	veq.s32 v7, $0x6;
	v9 =	vsel vm8, $0x1, v4;
	(xrf0) =	vadd.scan.msk.s32 $0xffff, v8  }
0x5d: {  	vm7 =	veq.s32 v7, $0x7;
	v8 =	vsel vm3, $0x1, v4;
	(xrf0) =	vadd.scan.msk.s32 $0xffff, v9  }
0x5e: {  	vm4 =	veq.s32 v7, $0x8;
	v9 =	vsel vm7, $0x1, v4;
	v10, _, _ =	vpop (xrf0);
	(xrf0) =	vadd.scan.msk.s32 $0xffff, v8  }
0x5f: {  	vm5 =	veq.s32 v7, $0x9;
	v8 =	vsel vm4, $0x1, v4;
	v11, _, _ =	vpop (xrf0);
	(xrf0) =	vadd.scan.msk.s32 $0xffff, v9  }
0x60: {  	v9 =	vsel vm5, $0x1, v4;
	v25 =	vbroadcast v10, $0xF;
	v12, _, _ =	vpop (xrf0);
	(xrf0) =	vadd.scan.msk.s32 $0xffff, v8;
	v8 =	vadd.s32 $0xFFFFFFFF, v10  }
0x61: {  	v13, _, _ =	vpop (xrf0);
	(xrf0) =	vadd.scan.msk.s32 $0xffff, v9;
	v8 =	vnsel vm6, $0x0, v8;
	vm6 =	veq.s32 v7, $0xA;
	v9 =	vadd.s32 $0xFFFFFFFF, v12  }
0x62: {  	v12 =	vbroadcast v12, $0xF;
	v15 =	vsel vm9, v9, v8;
	v9 =	vadd.s32 $0xFFFFFFFF, v11  }
0x63: {  	v28 =	vbroadcast v11, $0xF;
	v14, _, _ =	vpop (xrf0);
	v8 =	vsel vm6, $0x1, v4;
	v17 =	vnsel vm1, $0x0, v9  }
0x64: {  	v16, _, _ =	vpop (xrf0);
	(xrf0) =	vadd.scan.msk.s32 $0xffff, v8;
	v8 =	vadd.s32 $0xFFFFFFFF, v13;
	v26 =	vadd.s32 $0xFFFFFFFF, v14;
	v12 =	vsel vm13, v25, v12  }
0x65: {  	v13 =	vbroadcast v13, $0xF;
	v14 =	vbroadcast v14, $0xF;
	v9 =	vadd.s32 $0xFFFFFFFF, v16  }
0x66: {  	v18, _, _ =	vpop (xrf0);
	v12 =	vsel vm12, v12, v28;
	v20 =	vnsel vm8, $0x0, v9;
	vm8 =	veq.s32 v7, $0xB  }
0x67: {  	v16 =	vbroadcast v16, $0xF;
	v55, _, _ =	vpop (xrf0);
	v13 =	vsel vm11, v12, v13;
	v9 =	vsel vm8, $0x1, v4  }
0x68: {  	v57 =	vadd.s32 $0xFFFFFFFF, v18;
	v18 =	vbroadcast v18, $0xF;
	v56, _, _ =	vpop (xrf0);
	v13 =	vsel vm10, v13, v14;
	(xrf0) =	vadd.scan.msk.s32 $0xffff, v9  }
0x69: {  	vm1 =	veq.s32 v7, $0xD;
	v13 =	vsel vm14, v13, v16  }
0x6a: {  	v19 =	vnsel vm2, $0x0, v8;
	vm2 =	veq.s32 v7, $0xC;
	v13 =	vsel vm15, v13, v18;
	v18 =	vld [tilespmem:$0x1FF80]  }
0x6b: {  	v59 =	vsel vm1, $0x1, v4;
	v58 =	vsel vm2, $0x1, v4;
	v9 =	vadd.s32 $0xFFFFFFFF, v56  }
0x6c: {  	v15 =	vadd.s32 v17, v15;
	v24, _, _ =	vpop (xrf0);
	v9 =	vnsel vm4, $0x0, v9;
	vm4 =	veq.s32 v7, $0xE;
	(xrf0) =	vadd.scan.msk.s32 $0xffff, v58  }
0x6d: {  	v26 =	vnsel vm0, $0x0, v26;
	v15 =	vadd.s32 v19, v15;
	v27, _, _ =	vpop (xrf0);
	(xrf0) =	vadd.scan.msk.s32 $0xffff, v59;
	v14 =	vsel vm4, $0x1, v4  }
0x6e: {  	v23 =	vnsel vm3, $0x0, v57;
	vm3 =	veq.s32 v7, $0xF;
	v60, _, _ =	vpop (xrf0);
	(xrf0) =	vadd.scan.msk.s32 $0xffff, v14;
	v14 =	vimm.s32 $0x0  }
0x6f: {  	v61 =	vsel vm3, $0x1, v4;
	v14 =	vsel vm3, $0xFFFFFFFF, v14;
	vm3 =	vnez.u8 v18;
	v18 =	vld [tilespmem:$0x1FF90]  }
0x70: {  	v63 =	vld [tilespmem:$0x1FFA0];
	v15 =	vadd.s32 v26, v15  }
0x71: {  	v20 =	vadd.s32 v20, v15;
	v15 =	vld [tilespmem:$0x1FFB0]  }
0x72: {  	[tilespmem:$0x1FF20] =	vst v14;
	v14 =	vbroadcast v55, $0xF  }
0x73: {  	v16 =	vbroadcast v56, $0xF  }
0x74: {  	v17 =	vbroadcast v24, $0xF;
	v13 =	vsel vm3, v13, v14;
	vm3 =	vnez.u8 v18  }
0x75: {  	v18 =	vbroadcast v27, $0xF;
	v13 =	vsel vm3, v13, v16;
	vm3 =	vnez.u8 v63  }
0x76: {  	v17 =	vsel vm3, v13, v17;
	vm3 =	vnez.u8 v15  }
0x77: {  	v17 =	vsel vm3, v17, v18;
	v18 =	vadd.s32 v23, v20;
	v20 =	vld [tilespmem:$0x1FFC0];
	_ =	sdelay $0x1  }
0x78: {  	v8 =	vadd.s32 $0xFFFFFFFF, v55;
	v10 =	vadd.s32 $0xFFFFFFFF, v24  }
0x79: {  	v8 =	vnsel vm7, $0x0, v8;
	v10 =	vnsel vm5, $0x0, v10;
	v11 =	vadd.s32 $0xFFFFFFFF, v27  }
0x7a: {  	v11 =	vnsel vm6, $0x0, v11;
	v12 =	vadd.s32 $0xFFFFFFFF, v60;
	v19, _, _ =	vpop (xrf0);
	v62 =	vbroadcast v60, $0xF  }
0x7b: {  	s13 =	simm.s32 $0x10;
	s25 =	simm.s32 $0x2000;
	v12 =	vnsel vm8, $0x0, v12;
	v14 =	vbroadcast v19, $0xF;
	v16, _, _ =	vpop (xrf0);
	vm3 =	vnez.u8 v20  }
0x7c: {  	s26 =	simm.s32 $0x2200;
	s24 =	simm.s32 $0x2000;
	s23 =	simm.s32 $0x2200;
	v19 =	vadd.s32 $0xFFFFFFFF, v19;
	(xrf0) =	vadd.scan.msk.s32 $0xffff, v61;
	v13 =	vbroadcast v16, $0xF;
	v15, _, _ =	vpop (xrf0);
	v17 =	vsel vm3, v17, v62  }
.LBB2_2:
0x7d: {  	v8 =	vadd.s32 v8, v18  }
0x7e: {  	v8 =	vadd.s32 v9, v8  }
0x7f: {  	v8 =	vadd.s32 v10, v8  }
0x80: {  	v10 =	vld [tilespmem:$0x1FFE0];
	v8 =	vadd.s32 v11, v8  }
0x81: {  	v8 =	vadd.s32 v12, v8;
	v12 =	vld [tilespmem:$0x1FF30];
	_ =	sdelay $0x3  }
0x82: {  	v18 =	vnsel vm2, $0x0, v19;
	v9 =	vadd.s32 $0xFFFFFFFF, v16;
	vm2 =	vnez.u8 v10  }
0x83: {  	v9 =	vnsel vm1, $0x0, v9;
	v10 =	vsel vm2, v17, v14;
	vm1 =	vnez.u8 v12;
	v12 =	vld [tilespmem:$0x1FFD0]  }
0x84: {  	v10 =	vsel vm1, v10, v13;
	v13 =	vld [tilespmem:$0x1FFF0];
	_ =	sdelay $0x2  }
0x85: {  	v11 =	vadd.s32 $0xFFFFFFFF, v15;
	v15 =	vbroadcast v15, $0xF  }
0x86: {  	v11 =	vnsel vm4, $0x0, v11;
	v8 =	vadd.s32 v18, v8;
	vm0 =	vnez.u8 v12  }
0x87: {  	s28 =	smov.u32 s13;
	v8 =	vadd.s32 v9, v8;
	v12, _, _ =	vpop (xrf0);
	v10 =	vsel vm0, v10, v15;
	vm0 =	vnez.u8 v13  }
0x88: {  	v14 =	vld [tilespmem:$0x2400];
	v9 =	vadd.s32 $0xFFFFFFFF, v12;
	v10 =	vsel vm0, v10, v12;
	v12 =	vmov s28  }
0x89: {  	v8 =	vadd.s32 v11, v8;
	v11 =	vshll.u32 v12, $0x4;
	v12 =	vld [tilespmem:$0x1FF20];
	_ =	sdelay $0x2  }
0x8a: {  	v16 =	vld.idx.msk [tilespmem:v7+s4+$0x0], $0xffff  }
0x8b: {  	v10 =	vadd.s32 v14, v10  }
0x8c: {  	[tilespmem:$0x2400] =	vst v10;
	v10 =	vor.u32 v5, v11;
	vm0 =	vnez.u8 v12  }
0x8d: {  	[tilespmem:s24+$0x0] =	vst v7;
	v7 =	vor.u32 $0x1, v10;
	v11 =	vor.u32 $0x3, v10;
	v9 =	vnsel vm0, $0x0, v9  }
0x8e: {  	v13 =	vor.u32 $0x5, v10;
	v8 =	vadd.s32 v9, v8;
	v9 =	vor.u32 $0x2, v10  }
0x8f: {  	v14 =	vor.u32 $0x7, v10;
	v15 =	vor.u32 $0x8, v10;
	v8 =	vadd.s32 v16, v8  }
0x90: {  	v17 =	vor.u32 $0xB, v10;
	v18 =	vor.u32 $0xC, v10;
	v12 =	vor.u32 $0x4, v10;
	[tilespmem:s23+$0x0] =	vst v8  }
0x91: {  	v20 =	vor.u32 $0xD, v10;
	v21 =	vor.u32 $0xE, v10;
	v22 =	vor.u32 $0xF, v10;
	v19 =	vld.idx.msk [tilespmem:v10+s7+$0x0], $0xffff  }
0x92: {  	v16 =	vor.u32 $0x9, v10;
	v8 =	vor.u32 $0xA, v10;
	v7 =	vld.idx.msk [tilespmem:v7+s7+$0x0], $0xffff;
	v10 =	vor.u32 $0x6, v10  }
0x93: {  	v9 =	vld.idx.msk [tilespmem:v9+s7+$0x0], $0xffff  }
0x94: {  	v11 =	vld.idx.msk [tilespmem:v11+s7+$0x0], $0xffff  }
0x95: {  	v12 =	vld.idx.msk [tilespmem:v12+s7+$0x0], $0xffff  }
0x96: {  	v13 =	vld.idx.msk [tilespmem:v13+s7+$0x0], $0xffff  }
0x97: {  	v10 =	vld.idx.msk [tilespmem:v10+s7+$0x0], $0xffff;
	v23 =	vmax.f32 v19, v7  }
0x98: {  	v14 =	vld.idx.msk [tilespmem:v14+s7+$0x0], $0xffff;
	v23 =	vmax.f32 v23, v9  }
0x99: {  	v15 =	vld.idx.msk [tilespmem:v15+s7+$0x0], $0xffff;
	v23 =	vmax.f32 v23, v11  }
0x9a: {  	v16 =	vld.idx.msk [tilespmem:v16+s7+$0x0], $0xffff;
	v23 =	vmax.f32 v23, v12  }
0x9b: {  	v8 =	vld.idx.msk [tilespmem:v8+s7+$0x0], $0xffff;
	v23 =	vmax.f32 v23, v13  }
0x9c: {  	v17 =	vld.idx.msk [tilespmem:v17+s7+$0x0], $0xffff;
	v23 =	vmax.f32 v23, v10  }
0x9d: {  	v18 =	vld.idx.msk [tilespmem:v18+s7+$0x0], $0xffff;
	v23 =	vmax.f32 v23, v14  }
0x9e: {  	v20 =	vld.idx.msk [tilespmem:v20+s7+$0x0], $0xffff;
	v23 =	vmax.f32 v23, v15  }
0x9f: {  	v21 =	vld.idx.msk [tilespmem:v21+s7+$0x0], $0xffff;
	v23 =	vmax.f32 v23, v16  }
0xa0: {  	v22 =	vld.idx.msk [tilespmem:v22+s7+$0x0], $0xffff;
	v23 =	vmax.f32 v23, v8  }
0xa1: {  	v23 =	vmax.f32 v23, v17  }
0xa2: {  	v23 =	vmax.f32 v23, v18  }
0xa3: {  	v23 =	vmax.f32 v23, v20  }
0xa4: {  	v23 =	vmax.f32 v23, v21  }
0xa5: {  	v23 =	vmax.f32 v23, v22  }
0xa6: {  	vm0 =	veq.f32 v22, v23  }
0xa7: {  	vm2 =	veq.f32 v14, v23;
	v14 =	vsel vm0, $0xF, v6;
	vm0 =	veq.f32 v21, v23  }
0xa8: {  	vm3 =	veq.f32 v10, v23;
	v10 =	vsel vm0, $0xE, v14;
	vm0 =	veq.f32 v20, v23  }
0xa9: {  	v10 =	vsel vm0, $0xD, v10;
	vm0 =	veq.f32 v18, v23  }
0xaa: {  	v10 =	vsel vm0, $0xC, v10;
	vm0 =	veq.f32 v17, v23  }
0xab: {  	v10 =	vsel vm0, $0xB, v10;
	vm0 =	veq.f32 v8, v23  }
0xac: {  	v8 =	vsel vm0, $0xA, v10;
	vm0 =	veq.f32 v16, v23  }
0xad: {  	vm1 =	veq.f32 v15, v23;
	vm8 =	veq.f32 v7, v23;
	v7 =	vsel vm0, $0x9, v8  }
0xae: {  	v7 =	vsel vm1, $0x8, v7  }
0xaf: {  	v7 =	vsel vm2, $0x7, v7  }
0xb0: {  	vm4 =	veq.f32 v13, v23;
	v7 =	vsel vm3, $0x6, v7  }
0xb1: {  	vm5 =	veq.f32 v12, v23;
	v7 =	vsel vm4, $0x5, v7  }
0xb2: {  	vm6 =	veq.f32 v11, v23;
	v7 =	vsel vm5, $0x4, v7  }
0xb3: {  	vm7 =	veq.f32 v9, v23;
	v7 =	vsel vm6, $0x3, v7  }
0xb4: {  	v7 =	vsel vm7, $0x2, v7  }
0xb5: {  	vm0 =	veq.f32 v19, v23;
	v7 =	vsel vm8, $0x1, v7  }
0xb6: {  	v7 =	vsel vm0, $0x0, v7  }
0xb7: {  	vm3 =	vmmov vm15;
	vm15 =	vmmov vm14;
	vm14 =	veq.s32 v7, $0x0  }
0xb8: {  	v11 =	vimm.s32 $0x0;
	vm12 =	veq.s32 v7, $0x2;
	v8 =	vsel vm14, $0x1, v4  }
0xb9: {  	vm13 =	veq.s32 v7, $0x1;
	vm8 =	veq.s32 v7, $0x5;
	v10 =	vsel vm12, $0x1, v4;
	(xrf0) =	vadd.scan.msk.s32 $0xffff, v8  }
0xba: {  	vm11 =	veq.s32 v7, $0x3;
	vm0 =	veq.s32 v7, $0x4;
	v9 =	vsel vm13, $0x1, v4;
	(xrf0) =	vadd.scan.msk.s32 $0xffff, v10  }
0xbb: {  	vm10 =	veq.s32 v7, $0x6;
	v11 =	vsel vm0, $0xFFFFFFFF, v11;
	v8 =	vsel vm11, $0x1, v4;
	(xrf0) =	vadd.scan.msk.s32 $0xffff, v9  }
0xbc: {  	v12 =	vsel vm8, $0x1, v4;
	[tilespmem:$0x1FF00] =	vst v11;
	v11 =	vsel vm0, $0x1, v4;
	(xrf0) =	vadd.scan.msk.s32 $0xffff, v8  }
0xbd: {  	vm9 =	veq.s32 v7, $0x7;
	vm7 =	veq.s32 v7, $0x8;
	vm6 =	veq.s32 v7, $0x9;
	(xrf0) =	vadd.scan.msk.s32 $0xffff, v11  }
0xbe: {  	vm0 =	veq.s32 v7, $0xB;
	v9 =	vsel vm10, $0x1, v4;
	v8 =	vimm.s32 $0x0;
	(xrf0) =	vadd.scan.msk.s32 $0xffff, v12  }
0xbf: {  	vm5 =	veq.s32 v7, $0xA;
	v10 =	vsel vm9, $0x1, v4;
	v8 =	vsel vm0, $0xFFFFFFFF, v8;
	v12, _, _ =	vpop (xrf0);
	(xrf0) =	vadd.scan.msk.s32 $0xffff, v9  }
0xc0: {  	v13 =	vsel vm7, $0x1, v4;
	[tilespmem:$0x1FF10] =	vst v8;
	v8 =	vsel vm6, $0x1, v4;
	v16, _, _ =	vpop (xrf0);
	(xrf0) =	vadd.scan.msk.s32 $0xffff, v10  }
0xc1: {  	v10 =	vadd.s32 $0xFFFFFFFF, v12;
	v57 =	vbroadcast v12, $0xF;
	v12 =	vimm.s32 $0x0;
	v17, _, _ =	vpop (xrf0);
	(xrf0) =	vadd.scan.msk.s32 $0xffff, v13  }
0xc2: {  	v11 =	vsel vm5, $0x1, v4;
	v10 =	vnsel vm14, $0x0, v10;
	v13 =	vld [tilespmem:$0x1FF80];
	v19, _, _ =	vpop (xrf0);
	(xrf0) =	vadd.scan.msk.s32 $0xffff, v8;
	v8 =	vadd.s32 $0xFFFFFFFF, v17  }
0xc3: {  	v14 =	vsel vm0, $0x1, v4;
	vm0 =	veq.s32 v7, $0xF;
	v58, _, _ =	vpop (xrf0);
	(xrf0) =	vadd.scan.msk.s32 $0xffff, v11;
	v8 =	vsel vm13, v8, v10;
	v10 =	vld [tilespmem:$0x1FF70]  }
0xc4: {  	vm2 =	veq.s32 v7, $0xC;
	v18 =	vsel vm0, $0xFFFFFFFF, v12;
	v12, _, _ =	vpop (xrf0);
	(xrf0) =	vadd.scan.msk.s32 $0xffff, v14;
	v14 =	vld [tilespmem:$0x1FF40]  }
0xc5: {  	v9 =	vsel vm2, $0x1, v4  }
0xc6: {  	vm14 =	vmmov vm15;
	vm15 =	vmmov vm3;
	[tilespmem:$0x1FF20] =	vst v18;
	v18 =	vadd.s32 $0xFFFFFFFF, v16  }
0xc7: {  	v16 =	vbroadcast v16, $0xF;
	vm3 =	vnez.u8 v13;
	v13 =	vbroadcast v17, $0xF  }
0xc8: {  	v11 =	vadd.s32 $0xFFFFFFFF, v19;
	v17 =	vbroadcast v19, $0xF;
	vm13 =	vnez.u8 v10  }
0xc9: {  	v10 =	vsel vm13, v57, v13;
	v13 =	vnsel vm12, $0x0, v18;
	vm12 =	vnez.u8 v14  }
0xca: {  	v19, _, _ =	vpop (xrf0);
	(xrf0) =	vadd.scan.msk.s32 $0xffff, v9;
	v9 =	vsel vm12, v10, v16;
	v10 =	vnsel vm11, $0x0, v11;
	v11 =	vld [tilespmem:$0x1FF50];
	v8 =	vadd.s32 v13, v8  }
0xcb: {  	v59 =	vadd.s32 v10, v8;
	v8 =	vld [tilespmem:$0x1FF60];
	_ =	sdelay $0x1  }
0xcc: {  	vm1 =	veq.s32 v7, $0xD  }
0xcd: {  	v15 =	vsel vm1, $0x1, v4;
	v24 =	vadd.s32 $0xFFFFFFFF, v19;
	v14 =	vbroadcast v12, $0xF  }
0xce: {  	vm11 =	vnez.u8 v11;
	v11 =	vadd.s32 $0xFFFFFFFF, v12;
	v12, _, _ =	vpop (xrf0);
	(xrf0) =	vadd.scan.msk.s32 $0xffff, v15;
	v15 =	vbroadcast v58, $0xF  }
0xcf: {  	v60 =	vnsel vm10, $0x0, v24;
	v9 =	vsel vm11, v9, v17;
	vm10 =	vnez.u8 v8  }
0xd0: {  	v27 =	vbroadcast v19, $0xF;
	v17, _, _ =	vpop (xrf0);
	v9 =	vsel vm10, v9, v15  }
0xd1: {  	v9 =	vsel vm14, v9, v14;
	v14 =	vadd.s32 $0xFFFFFFFF, v17  }
0xd2: {  	v10 =	vbroadcast v17, $0xF;
	v17 =	vsel vm15, v9, v27;
	v9 =	vnsel vm7, $0x0, v14;
	v14 =	vld [tilespmem:$0x1FF90];
	_ =	sdelay $0x2  }
0xd3: {  	v16 =	vadd.s32 $0xFFFFFFFF, v12;
	v12 =	vbroadcast v12, $0xF  }
0xd4: {  	v13, _, _ =	vpop (xrf0)  }
0xd5: {  	v12 =	vsel vm3, v17, v12;
	v17 =	vadd.s32 $0xFFFFFFFF, v13;
	vm7 =	vnez.u8 v14  }
0xd6: {  	v12 =	vsel vm7, v12, v10;
	v10 =	vnsel vm6, $0x0, v17;
	v17 =	vld [tilespmem:$0x1FFB0];
	_ =	sdelay $0x1  }
0xd7: {  	vm4 =	veq.s32 v7, $0xE  }
0xd8: {  	v18 =	vsel vm4, $0x1, v4  }
0xd9: {  	v62 =	vld [tilespmem:$0x1FFA0];
	(xrf0) =	vadd.scan.msk.s32 $0xffff, v18;
	v18 =	vnsel vm8, $0x0, v11;
	v11, _, _ =	vpop (xrf0)  }
0xda: {  	v25 =	vadd.s32 $0xFFFFFFFF, v11;
	vm6 =	vnez.u8 v17;
	v17 =	vbroadcast v11, $0xF;
	v11 =	vld [tilespmem:$0x1FF00];
	_ =	sdelay $0x3  }
0xdb: {  	v20 =	vsel vm0, $0x1, v4;
	v61 =	vbroadcast v13, $0xF  }
0xdc: {  	vm0 =	vnez.u8 v11;
	v11 =	vnsel vm5, $0x0, v25;
	vm5 =	vnez.u8 v62  }
0xdd: {  	v12 =	vsel vm5, v12, v61  }
0xde: {  	v17 =	vsel vm6, v12, v17;
	v12 =	vld [tilespmem:$0x1FF10];
	_ =	sdelay $0x2  }
0xdf: {  	v19, _, _ =	vpop (xrf0)  }
0xe0: {  	v21 =	vadd.s32 $0xFFFFFFFF, v58;
	v63 =	vbroadcast v19, $0xF  }
0xe1: {  	v19 =	vadd.s32 $0xFFFFFFFF, v19;
	v21 =	vnsel vm0, $0x0, v21;
	vm0 =	vnez.u8 v12  }
0xe2: {  	v12 =	vnsel vm0, $0x0, v19;
	v19 =	vld [tilespmem:$0x1FFC0]  }
0xe3: {  	p0 =	sne.s32 s13, $0x1F0  }
.Ltmp2:
0xe4: {  	v26, _, _ =	vpop (xrf0);
	(pc) =	sbr.rel @p0 .LBB2_2-.Ltmp2, $4  }
0xe5: {  	v8 =	vnsel vm9, $0x0, v16;
	v16, _, _ =	vpop (xrf0)  }
0xe6: {  	v13 =	vbroadcast v16, $0xF;
	v21 =	vadd.s32 v21, v59  }
0xe7: {  	s25 =	sadd.s32 $0x10, s25;
	s26 =	sadd.s32 $0x10, s26;
	v14 =	vbroadcast v26, $0xF;
	v18 =	vadd.s32 v18, v21;
	vm8 =	vnez.u8 v19  }
0xe8: {  	s13 =	sadd.s32 $0x10, s13;
	s24 =	smov.u32 s25;
	s23 =	smov.u32 s26;
	v15, _, _ =	vpop (xrf0);
	(xrf0) =	vadd.scan.msk.s32 $0xffff, v20;
	v18 =	vadd.s32 v60, v18;
	v19 =	vadd.s32 $0xFFFFFFFF, v26;
	v17 =	vsel vm8, v17, v63  }
0xe9: {  	v8 =	vadd.s32 v8, v18  }
0xea: {  	v8 =	vadd.s32 v9, v8  }
0xeb: {  	v8 =	vadd.s32 v10, v8  }
0xec: {  	v18 =	vld [tilespmem:$0x1FFE0];
	v8 =	vadd.s32 v11, v8  }
0xed: {  	v8 =	vadd.s32 v12, v8;
	v12 =	vld [tilespmem:$0x1FF30];
	_ =	sdelay $0x3  }
0xee: {  	vm0 =	vnez.u8 v18  }
0xef: {  	v14 =	vsel vm0, v17, v14;
	vm6 =	vnez.u8 v12  }
0xf0: {  	v12 =	vsel vm6, v14, v13;
	v14 =	vld [tilespmem:$0x1FFD0];
	_ =	sdelay $0x4  }
0xf1: {  	vm9 =	vnez.u8 v14;
	v14 =	vld [tilespmem:$0x1FFF0];
	_ =	sdelay $0x1  }
0xf2: {  	v10 =	vld [tilespmem:$0x2400]  }
0xf3: {  	v11 =	vbroadcast v15, $0xF;
	_ =	sdelay $0x1  }
0xf4: {  	v11 =	vsel vm9, v12, v11;
	v12, _, _ =	vpop (xrf0);
	vm7 =	vnez.u8 v14  }
0xf5: {  	v11 =	vsel vm7, v11, v12  }
0xf6: {  	v10 =	vadd.s32 v10, v11;
	v11 =	vld [tilespmem:$0x1FF20];
	_ =	sdelay $0x1  }
0xf7: {  	v9 =	vadd.s32 $0xFFFFFFFF, v16;
	v16 =	vnsel vm2, $0x0, v19  }
0xf8: {  	v9 =	vnsel vm1, $0x0, v9;
	v8 =	vadd.s32 v16, v8;
	v17 =	vld.idx.msk [tilespmem:v7+s4+$0x0], $0xffff  }
0xf9: {  	v15 =	vadd.s32 $0xFFFFFFFF, v15;
	v8 =	vadd.s32 v9, v8  }
0xfa: {  	v13 =	vnsel vm4, $0x0, v15;
	v9 =	vadd.s32 $0xFFFFFFFF, v12;
	vm4 =	vnez.u8 v11  }
0xfb: {  	v8 =	vadd.s32 v13, v8;
	v9 =	vnsel vm4, $0x0, v9  }
0xfc: {  	[tilespmem:$0x2400] =	vst v10;
	v8 =	vadd.s32 v9, v8  }
0xfd: {  	[tilespmem:s24+$0x0] =	vst v7;
	v7 =	vadd.s32 v17, v8  }
0xfe: {  	s0 =	rddreg [dreg:$0x9];
	[tilespmem:s23+$0x0] =	vst v7  }
0xff: {  	[spmem:s0] =	stream.linear.scatter [tilespmem:s4], [sflag:$0x6], $0x10, $0x38;
	[tilespmem:$0x1EC90] =	vst v63  }
0x100: {  	_ =	swait.ge [sflag:s6], $0x10  }
0x101: {  	[sflag:s6] =	ssyncset.done $0x0  }
0x102: {  	[sflag:s6] =	ssyncadd.s32 $0xFFFFFFF0  }
0x103: {  	[bflag:$0x0] =	sbarrier.arrive $0xFFFF  }
0x104: {  	s13 =	simm.s32 $0x2500;
	s31 =	rddreg [dreg:$0x3]  }
0x105: {  	[tilespmem:s13], [sflag:$0x6] =	stream.linear.gather [spmem:s31], $0x100, $0x38;
	[tilespmem:$0x1EC90] =	vst v63  }
0x106: {  	_ =	swait.ge [sflag:s6], $0x100  }
0x107: {  	[sflag:s6] =	ssyncset.done $0x0  }
0x108: {  	[sflag:s6] =	ssyncadd.s32 $0xFFFFFF00  }
0x109: {  	v9 =	vld [tilespmem:$0x2500]  }
0x10a: {  	v12 =	vld [tilespmem:$0x2510]  }
0x10b: {  	v10 =	vld [tilespmem:$0x2520]  }
0x10c: {  	v8 =	vld [tilespmem:$0x2530]  }
0x10d: {  	v7 =	vld [tilespmem:$0x2540]  }
0x10e: {  	vm5 =	vgt.u32 v2, $0x1;
	vm6 =	veq.s32 v2, $0x0;
	v11 =	vld [tilespmem:$0x2550]  }
0x10f: {  	vm7 =	vgt.u32 v2, $0x2;
	v13 =	vld [tilespmem:$0x2560];
	v14 =	vsel vm6, $0x0, v9;
	v15 =	vnsel vm5, $0x0, v12  }
0x110: {  	vm4 =	vgt.u32 v2, $0x3;
	v16 =	vnsel vm7, $0x0, v10;
	v15 =	vadd.s32 v14, v15;
	v14 =	vld [tilespmem:$0x2570]  }
0x111: {  	v17 =	vnsel vm4, $0x0, v8;
	vm5 =	vgt.u32 v2, $0x4;
	v16 =	vadd.s32 v16, v15;
	v15 =	vld [tilespmem:$0x2580]  }
0x112: {  	vm6 =	vgt.u32 v2, $0x5;
	v18 =	vnsel vm5, $0x0, v7;
	v17 =	vadd.s32 v17, v16;
	v16 =	vld [tilespmem:$0x2590]  }
0x113: {  	vm7 =	vgt.u32 v2, $0x6;
	v19 =	vnsel vm6, $0x0, v11;
	v18 =	vadd.s32 v18, v17;
	v17 =	vld [tilespmem:$0x25A0]  }
0x114: {  	vm4 =	vgt.u32 v2, $0x7;
	v20 =	vnsel vm7, $0x0, v13;
	v19 =	vadd.s32 v19, v18;
	v18 =	vld [tilespmem:$0x25B0]  }
0x115: {  	vm5 =	vgt.u32 v2, $0x8;
	v21 =	vnsel vm4, $0x0, v14;
	v20 =	vadd.s32 v20, v19;
	v19 =	vld [tilespmem:$0x25C0]  }
0x116: {  	vm6 =	vgt.u32 v2, $0x9;
	v22 =	vnsel vm5, $0x0, v15;
	v21 =	vadd.s32 v21, v20;
	v20 =	vld [tilespmem:$0x25D0]  }
0x117: {  	vm7 =	vgt.u32 v2, $0xA;
	v23 =	vnsel vm6, $0x0, v16;
	v22 =	vadd.s32 v22, v21;
	v21 =	vld [tilespmem:$0x25E0]  }
0x118: {  	vm4 =	vgt.u32 v2, $0xB;
	v22 =	vadd.s32 v23, v22;
	v23 =	vnsel vm7, $0x0, v17  }
0x119: {  	vm5 =	vgt.u32 v2, $0xC;
	v22 =	vadd.s32 v23, v22;
	v23 =	vnsel vm4, $0x0, v18  }
0x11a: {  	vm6 =	vgt.u32 v2, $0xD;
	v22 =	vadd.s32 v23, v22;
	v23 =	vnsel vm5, $0x0, v19  }
0x11b: {  	vm7 =	veq.s32 v2, $0xF;
	v22 =	vadd.s32 v23, v22;
	v23 =	vnsel vm6, $0x0, v20  }
0x11c: {  	v24 =	vnsel vm7, $0x0, v21;
	v22 =	vadd.s32 v23, v22  }
0x11d: {  	v22 =	vadd.s32 v24, v22  }
0x11e: {  	s23 =	simm.s32 $0x0;
	[tilespmem:$0x2480] =	vst v22  }
0x11f: {  	v24 =	vld [tilespmem:s23+$0x2000];
	_ =	sdelay $0x5  }
0x120: {  	s13 =	simm.s32 $0x10;
	v22 =	vld [tilespmem:$0x25F0]  }
0x121: {  	v23 =	vld [tilespmem:s13+$0x2000]  }
0x122: {  	s24 =	simm.s32 $0x80;
	v24 =	vld.idx.msk [tilespmem:v24+s5+$0x0], $0xffff  }
.LBB2_4:
0x123: {  	p0 =	sne.s32 s24, $0x7C0;
	v25 =	vld [tilespmem:s23+$0x2200];
	_ =	sdelay $0x2  }
0x124: {  	v26 =	vmov v23  }
.Ltmp3:
0x125: {  	(pc) =	sbr.rel @p0 .LBB2_4-.Ltmp3, $4  }
0x126: {  	v23 =	vadd.s32 v25, v24  }
0x127: {  	[tilespmem:s23+$0x2200] =	vst v23;
	s23 =	smov.u32 s13;
	s13 =	sshra.s32 s24, $0x2  }
0x128: {  	v23 =	vld [tilespmem:s13+$0x2000]  }
0x129: {  	s24 =	sadd.s32 $0x40, s24;
	v24 =	vld.idx.msk [tilespmem:v26+s5+$0x0], $0xffff  }
0x12a: {  	v25 =	vld [tilespmem:s23+$0x2200];
	_ =	sdelay $0x4  }
0x12b: {  	v9 =	vadd.s32 v9, v12;
	v24 =	vadd.s32 v25, v24  }
0x12c: {  	v9 =	vadd.s32 v10, v9;
	[tilespmem:s23+$0x2200] =	vst v24  }
0x12d: {  	v8 =	vadd.s32 v8, v9;
	v62 =	vld.idx.msk [tilespmem:v23+s5+$0x0], $0xffff  }
0x12e: {  	v7 =	vadd.s32 v7, v8;
	v63 =	vld [tilespmem:s13+$0x2200]  }
0x12f: {  	v7 =	vadd.s32 v11, v7  }
0x130: {  	v7 =	vadd.s32 v13, v7  }
0x131: {  	v7 =	vadd.s32 v14, v7  }
0x132: {  	v7 =	vadd.s32 v15, v7  }
0x133: {  	v7 =	vadd.s32 v16, v7;
	v8 =	vadd.s32 v63, v62  }
0x134: {  	s0 =	rddreg [dreg:$0xa];
	s23 =	simm.s32 $0x2000;
	v7 =	vadd.s32 v17, v7;
	[tilespmem:s13+$0x2200] =	vst v8  }
0x135: {  	v7 =	vadd.s32 v18, v7;
	[spmem:s0] =	stream.linear.scatter [tilespmem:s23], [sflag:$0x6], $0x200, $0x38;
	[tilespmem:$0x1EC90] =	vst v63  }
0x136: {  	v7 =	vadd.s32 v19, v7;
	_ =	swait.ge [sflag:s6], $0x200  }
0x137: {  	v7 =	vadd.s32 v20, v7;
	[sflag:s6] =	ssyncset.done $0x0  }
0x138: {  	s25 =	simm.s32 $0x2200;
	v7 =	vadd.s32 v21, v7;
	s24 =	rddreg [dreg:$0xb];
	[sflag:s6] =	ssyncadd.s32 $0xFFFFFE00  }
0x139: {  	v7 =	vadd.s32 v22, v7;
	[spmem:s24] =	stream.linear.scatter [tilespmem:s25], [sflag:$0x6], $0x200, $0x38;
	[tilespmem:$0x1EC90] =	vst v63  }
0x13a: {  	v8 =	vxor.u32 $0x80000000, v7;
	_ =	swait.ge [sflag:s6], $0x200  }
0x13b: {  	(xrf0) =	vmax.scan.msk.u32 $0xffff, v8;
	_ =	sdelay $0x5  }
0x13c: {  	v8, _, _ =	vpop (xrf0)  }
0x13d: {  	(v2sf) =	vpush v8, $0xF;
	_ =	sdelay $0xe  }
0x13e: {  	s26 =	spop (v2sf)  }
0x13f: {  	s13 =	sxor.u32 $0x80000000, s26  }
0x140: {  	s23 =	simm.s32 $0x400;
	p0 =	sgt.s32 s13, $0x200  }
0x141: {  	s23 =	simm.s32 @!p0 $0x200;
	p0 =	sgt.s32 s13, $0x100  }
0x142: {  	s23 =	simm.s32 @!p0 $0x100;
	p0 =	sgt.s32 s13, $0x80  }
0x143: {  	s23 =	simm.s32 @!p0 $0x80  }
0x144: {  	vm0 =	vlt.s32 v7, s23  }
0x145: {  	v7 =	vnsel vm0, s23, v7  }
0x146: {  	v7 =	vsub.s32 v7, v1  }
0x147: {  	vm6 =	vgt.s32 v7, $0x0  }
0x148: {  	[sflag:s6] =	ssyncset.done $0x0;
	v7 =	vnsel vm6, $0x0, v7  }
0x149: {  	vm7 =	veq.s32 v0, v3;
	[sflag:s6] =	ssyncadd.s32 $0xFFFFFE00;
	v7 =	vmin.u32 v7, $0x200  }
0x14a: {  	[bflag:$0x0] =	sbarrier.arrive $0xFFFF;
	v7 =	vnsel vm7, $0x0, v7  }
0x14b: {  	(xrf0) =	vadd.scan.msk.s32 $0xffff, v7;
	_ =	sdelay $0x5  }
0x14c: {  	v7, _, _ =	vpop (xrf0)  }
0x14d: {  	(v2sf) =	vpush v7, $0xF;
	_ =	sdelay $0xe  }
0x14e: {  	s24 =	spop (v2sf)  }
0x14f: {  	s28 =	sadd.s32 $0xF, s24  }
0x150: {  	s29 =	sand.u32 $0xF, s28  }
0x151: {  	s25 =	sshra.s32 s28, $0x1F;
	p6 =	slt.s32 s28, $0x1;
	p1 =	sne.s32 s29, $0x0  }
0x152: {  	s30 =	sshrl.u32 s25, $0x1C;
	p0 =	por !p6, !p1  }
0x153: {  	s23 =	simm.s32 $0x1;
	s13 =	sadd.s32 s30, s28;
	p0 =	por !p0, !p0  }
0x154: {  	s13 =	sshra.s32 s13, $0x4;
	s23 =	simm.s32 @!p0 $0x0  }
0x155: {  	s25 =	ssub.s32 s13, s23  }
0x156: {  	s13 =	sshll.u32 s25, $0x4  }
0x157: {  	s31 =	ssub.s32 $0x200, s13  }
0x158: {  	s23 =	sshra.s32 s31, $0x4  }
0x159: {  	p0 =	slt.s32 s23, $0x1  }
.Ltmp4:
0x15a: {  	_ = 	snop;
	(pc) =	sbr.rel @p0 .LBB2_9-.Ltmp4, $1  }
0x15b: {  	_ =	sdelay $0x3  }
0x15c: {  	p1 =	sne.s32 s23, $0x1  }
.Ltmp5:
0x15d: {  	_ = 	snop;
	(pc) =	sbr.rel @!p1 .LBB2_8-.Ltmp5, $4  }
0x15e: {  	s26 =	sshll.u32 s25, $0xF;
	s0 =	rddreg [dreg:$0xd]  }
0x15f: {  	s28 =	sadd.s32 s26, s0  }
0x160: {  	s29 =	sshrl.u32 s28, $0x3  }
0x161: {  	s26 =	sadd.s32 $0xFFFFFFFF, s23;
	s28 =	sadd.s32 $0x8000, s28;
	s29 =	sadd.s32 s2, s29  }
.LBB2_7:
0x162: {  	[hbm4b:s29+s7] =	stream.linear.scatter [tilespmem:s3], [sflag:$0x5], $0x8000, $0x38;
	[tilespmem:$0x1EC90] =	vst v63  }
0x163: {  	p1 =	sne.s32 s26, $0x1  }
.Ltmp6:
0x164: {  	s26 =	sadd.s32 $0xFFFFFFFF, s26;
	(pc) =	sbr.rel @p1 .LBB2_7-.Ltmp6, $3  }
0x165: {  	_ =	sdelay $0x1  }
0x166: {  	s29 =	sshrl.u32 s28, $0x3  }
0x167: {  	s28 =	sadd.s32 $0x8000, s28;
	s29 =	sadd.s32 s2, s29  }
.LBB2_8:
0x168: {  	[hbm4b:s29+s7] =	stream.linear.scatter [tilespmem:s3], [sflag:$0x5], $0x8000, $0x38;
	[tilespmem:$0x1EC90] =	vst v63  }
.LBB2_9:
0x169: {  	s26 =	simm.s32 $0x2600;
	s0 =	rddreg [dreg:$0x4]  }
0x16a: {  	[tilespmem:s26], [sflag:$0x6] =	stream.linear.gather [spmem:s0], $0x2000, $0x38;
	[tilespmem:$0x1EC90] =	vst v63  }
0x16b: {  	_ =	swait.ge [sflag:s6], $0x2000  }
0x16c: {  	[sflag:s6] =	ssyncset.done $0x0  }
0x16d: {  	[sflag:s6] =	ssyncadd.s32 $0xFFFFE000  }
0x16e: {  	s28 =	simm.s32 $0x4600;
	s31 =	rddreg [dreg:$0x5]  }
0x16f: {  	[tilespmem:s28], [sflag:$0x6] =	stream.linear.gather [spmem:s31], $0x2000, $0x38;
	[tilespmem:$0x1EC90] =	vst v63  }
0x170: {  	_ =	swait.ge [sflag:s6], $0x2000  }
0x171: {  	[sflag:s6] =	ssyncset.done $0x0  }
0x172: {  	[sflag:s6] =	ssyncadd.s32 $0xFFFFE000  }
0x173: {  	[tilespmem:$0x6600] =	vst v4  }
0x174: {  	[tilespmem:$0x6610] =	vst v4  }
0x175: {  	[tilespmem:$0x6620] =	vst v4  }
0x176: {  	[tilespmem:$0x6630] =	vst v4  }
0x177: {  	[tilespmem:$0x6640] =	vst v4  }
0x178: {  	[tilespmem:$0x6650] =	vst v4  }
0x179: {  	[tilespmem:$0x6660] =	vst v4  }
0x17a: {  	[tilespmem:$0x6670] =	vst v4  }
0x17b: {  	[tilespmem:$0x6680] =	vst v4  }
0x17c: {  	[tilespmem:$0x6690] =	vst v4  }
0x17d: {  	[tilespmem:$0x66A0] =	vst v4  }
0x17e: {  	[tilespmem:$0x66B0] =	vst v4  }
0x17f: {  	[tilespmem:$0x66C0] =	vst v4  }
0x180: {  	[tilespmem:$0x66D0] =	vst v4  }
0x181: {  	[tilespmem:$0x66E0] =	vst v4  }
0x182: {  	[tilespmem:$0x66F0] =	vst v4  }
0x183: {  	[tilespmem:$0x6700] =	vst v4  }
0x184: {  	[tilespmem:$0x6710] =	vst v4  }
0x185: {  	[tilespmem:$0x6720] =	vst v4  }
0x186: {  	[tilespmem:$0x6730] =	vst v4  }
0x187: {  	[tilespmem:$0x6740] =	vst v4  }
0x188: {  	[tilespmem:$0x6750] =	vst v4  }
0x189: {  	[tilespmem:$0x6760] =	vst v4  }
0x18a: {  	[tilespmem:$0x6770] =	vst v4  }
0x18b: {  	[tilespmem:$0x6780] =	vst v4  }
0x18c: {  	[tilespmem:$0x6790] =	vst v4  }
0x18d: {  	[tilespmem:$0x67A0] =	vst v4  }
0x18e: {  	[tilespmem:$0x67B0] =	vst v4  }
0x18f: {  	[tilespmem:$0x67C0] =	vst v4  }
0x190: {  	[tilespmem:$0x67D0] =	vst v4  }
0x191: {  	[tilespmem:$0x67E0] =	vst v4  }
0x192: {  	[tilespmem:$0x67F0] =	vst v4  }
0x193: {  	s29 =	simm.s32 $0x0;
	s30 =	simm.s32 $0x10;
	v7 =	vld [tilespmem:s28+$0x0]  }
.LBB2_10:
0x194: {  	p1 =	sne.s32 s30, $0x1FF0;
	v8 =	vld [tilespmem:s26+$0x0];
	_ =	sdelay $0x3  }
0x195: {  	v9 =	vsub.s32 v7, v1  }
0x196: {  	vm0 =	veq.s32 v8, v0;
	vm1 =	vlt.u32 v9, $0x200  }
0x197: {  	v7 =	vand.u32 $0x7F, v7;
	v8 =	vand.u32 $0xFFFFFF80, v9;
	vm0 =	vmand vm0, vm1  }
0x198: {  	v7 =	vor.u32 v7, v8;
	_ =	sdelay $0x1  }
.Ltmp7:
0x199: {  	(pc) =	sbr.rel @p1 .LBB2_10-.Ltmp7, $4  }
0x19a: {  	_ = 	snop  }
0x19b: {  	v8 =	vor.u32 s29, v3;
	s29 =	smov.u32 s30  }
0x19c: {  	s28 =	sadd.s32 $0x10, s28;
	[tilespmem:v7+s21+$0x0] =	vst.idx.msk vm0, v8  }
0x19d: {  	s26 =	sadd.s32 $0x10, s26;
	s30 =	sadd.s32 $0x10, s30;
	v7 =	vld [tilespmem:s28+$0x0]  }
0x19e: {  	v8 =	vld [tilespmem:s26+$0x0];
	_ =	sdelay $0x3  }
0x19f: {  	v9 =	vsub.s32 v7, v1  }
0x1a0: {  	vm0 =	veq.s32 v8, v0;
	vm1 =	vlt.u32 v9, $0x200  }
0x1a1: {  	v7 =	vand.u32 $0x7F, v7;
	v8 =	vand.u32 $0xFFFFFF80, v9;
	vm0 =	vmand vm0, vm1  }
0x1a2: {  	p1 =	slt.s32 s25, $0x1;
	v7 =	vor.u32 v7, v8  }
.Ltmp8:
0x1a3: {  	_ = 	snop;
	(pc) =	sbr.rel @p1 .LBB2_17-.Ltmp8, $3  }
0x1a4: {  	_ =	sdelay $0x1  }
0x1a5: {  	v8 =	vor.u32 s29, v3  }
0x1a6: {  	[tilespmem:v7+s21+$0x0] =	vst.idx.msk vm0, v8  }
0x1a7: {  	v7 =	vld [tilespmem:$0x6600];
	_ =	sdelay $0x4  }
0x1a8: {  	v8 =	vshll.u32 v7, $0x4  }
0x1a9: {  	v7 =	vand.u32 $0x7, v7;
	v8 =	vand.u32 $0xFFFFFF80, v8  }
0x1aa: {  	v9 =	vshrl.u32 v3, $0x3;
	v7 =	vor.u32 v7, v8;
	v8 =	vand.u32 $0x7, v3  }
0x1ab: {  	v9 =	vmul.u32 $0x8, v9;
	v8 =	vperm.xlane v7, v8;
	_ =	sdelay $0x1  }
0x1ac: {  	v8 =	vadd.s32 v9, v8;
	_ =	sdelay $0x3  }
0x1ad: {  	vm0 =	vmmov $0xffff;
	s26 =	simm.s32 $0x0;
	s0 =	simm.s32 $0x6800  }
0x1ae: {  	[tilespmem:s0], [sflag:$0x1] =	stream.indirect_vreg.gather [hbm4b:s1+s26], $0x80, v8, vm0, $0xb8;
	[tilespmem:$0x1EC90] =	vst v63  }
0x1af: {  	s29 =	simm.s32 $0x7000  }
0x1b0: {  	[tilespmem:s29], [sflag:$0x1] =	stream.indirect_vreg.gather [hbm4b:s15+s26], $0x80, v8, vm0, $0xb8;
	[tilespmem:$0x1EC90] =	vst v63  }
0x1b1: {  	s30 =	simm.s32 $0x7800  }
0x1b2: {  	[tilespmem:s30], [sflag:$0x1] =	stream.indirect_vreg.gather [hbm4b:s16+s26], $0x80, v8, vm0, $0xb8;
	[tilespmem:$0x1EC90] =	vst v63  }
0x1b3: {  	s31 =	simm.s32 $0x8000  }
0x1b4: {  	[tilespmem:s31], [sflag:$0x1] =	stream.indirect_vreg.gather [hbm4b:s17+s26], $0x80, v8, vm0, $0xb8;
	[tilespmem:$0x1EC90] =	vst v63  }
0x1b5: {  	s28 =	simm.s32 $0x8800  }
0x1b6: {  	v10 =	vor.u32 $0x8, v3;
	[tilespmem:s28], [sflag:$0x1] =	stream.indirect_vreg.gather [hbm4b:s18+s26], $0x80, v8, vm0, $0xb8;
	[tilespmem:$0x1EC90] =	vst v63  }
0x1b7: {  	v7 =	vperm.xlane v7, v10;
	s29 =	simm.s32 $0x9000  }
0x1b8: {  	[tilespmem:s29], [sflag:$0x1] =	stream.indirect_vreg.gather [hbm4b:s19+s26], $0x80, v8, vm0, $0xb8;
	[tilespmem:$0x1EC90] =	vst v63  }
0x1b9: {  	v7 =	vadd.s32 v9, v7;
	s30 =	simm.s32 $0x9800  }
0x1ba: {  	[tilespmem:s30], [sflag:$0x1] =	stream.indirect_vreg.gather [hbm4b:s20+s26], $0x80, v8, vm0, $0xb8;
	[tilespmem:$0x1EC90] =	vst v63  }
0x1bb: {  	s31 =	simm.s32 $0xA000  }
0x1bc: {  	[tilespmem:s31], [sflag:$0x1] =	stream.indirect_vreg.gather [hbm4b:s22+s26], $0x80, v8, vm0, $0xb8;
	[tilespmem:$0x1EC90] =	vst v63  }
0x1bd: {  	s28 =	simm.s32 $0xA800  }
0x1be: {  	[tilespmem:s28], [sflag:$0x1] =	stream.indirect_vreg.gather [hbm4b:s1+s26], $0x80, v7, vm0, $0xb8;
	[tilespmem:$0x1EC90] =	vst v63  }
0x1bf: {  	s29 =	simm.s32 $0xB000  }
0x1c0: {  	[tilespmem:s29], [sflag:$0x1] =	stream.indirect_vreg.gather [hbm4b:s15+s26], $0x80, v7, vm0, $0xb8;
	[tilespmem:$0x1EC90] =	vst v63  }
0x1c1: {  	s30 =	simm.s32 $0xB800  }
0x1c2: {  	[tilespmem:s30], [sflag:$0x1] =	stream.indirect_vreg.gather [hbm4b:s16+s26], $0x80, v7, vm0, $0xb8;
	[tilespmem:$0x1EC90] =	vst v63  }
0x1c3: {  	s31 =	simm.s32 $0xC000  }
0x1c4: {  	[tilespmem:s31], [sflag:$0x1] =	stream.indirect_vreg.gather [hbm4b:s17+s26], $0x80, v7, vm0, $0xb8;
	[tilespmem:$0x1EC90] =	vst v63  }
0x1c5: {  	s28 =	simm.s32 $0xC800  }
0x1c6: {  	[tilespmem:s28], [sflag:$0x1] =	stream.indirect_vreg.gather [hbm4b:s18+s26], $0x80, v7, vm0, $0xb8;
	[tilespmem:$0x1EC90] =	vst v63  }
0x1c7: {  	s29 =	simm.s32 $0xD000  }
0x1c8: {  	[tilespmem:s29], [sflag:$0x1] =	stream.indirect_vreg.gather [hbm4b:s19+s26], $0x80, v7, vm0, $0xb8;
	[tilespmem:$0x1EC90] =	vst v63  }
.Ltmp9:
0x1c9: {  	_ = 	snop;
	(pc) =	sbr.rel .LBB2_13-.Ltmp9, $4  }
0x1ca: {  	s30 =	simm.s32 $0xD800  }
0x1cb: {  	[tilespmem:s30], [sflag:$0x1] =	stream.indirect_vreg.gather [hbm4b:s20+s26], $0x80, v7, vm0, $0xb8;
	[tilespmem:$0x1EC90] =	vst v63  }
0x1cc: {  	s31 =	simm.s32 $0xE000  }
0x1cd: {  	[tilespmem:s31], [sflag:$0x1] =	stream.indirect_vreg.gather [hbm4b:s22+s26], $0x80, v7, vm0, $0xb8;
	[tilespmem:$0x1EC90] =	vst v63  }
.LBB2_15:
0x1ce: {  	p1 =	sne.s32 s28, s25  }
.Ltmp10:
0x1cf: {  	_ = 	snop;
	(pc) =	sbr.rel @!p1 .LBB2_16-.Ltmp10, $2  }
0x1d0: {  	_ =	sdelay $0x2  }
0x1d1: {  	s26 =	smov.u32 s28  }
.LBB2_13:
0x1d2: {  	s29 =	sand.u32 $0x1, s26  }
0x1d3: {  	p1 =	seq.s32 s29, $0x1  }
0x1d4: {  	p2 =	seq.s32 @!p1 s26, $0x0  }
0x1d5: {  	s28 =	sor.u32 @!p1 $0x1, s26;
	p3 =	por p2, p1  }
0x1d6: {  	p2 =	sge.s32 @!p1 s28, s25;
	s30 =	simm.s32 @!p3 $0x4  }
0x1d7: {  	p2 =	por p2, p1;
	_ =	swait.ge @!p3 [sflag:s30], $0x8000  }
0x1d8: {  	s31 =	sshll.u32 @!p2 s28, $0x6;
	[sflag:s30] =	ssyncset.done @!p3 $0x0  }
0x1d9: {  	[sflag:s30] =	ssyncadd.s32 @!p3 $0xFFFF8000;
	s30 =	sshra.s32 @!p2 s31, $0x2  }
0x1da: {  	v7 =	vld @!p2 [tilespmem:s30+$0x6600];
	_ =	sdelay $0x4  }
0x1db: {  	v8 =	vshll.u32 @!p2 v7, $0x4  }
0x1dc: {  	v9 =	vlaneseq.u32 @!p2;
	v7 =	vand.u32 @!p2 $0x7, v7;
	v8 =	vand.u32 @!p2 $0xFFFFFF80, v8  }
0x1dd: {  	v10 =	vshrl.u32 @!p2 v9, $0x3;
	v7 =	vor.u32 @!p2 v7, v8;
	v8 =	vand.u32 @!p2 $0x7, v9  }
0x1de: {  	v10 =	vmul.u32 @!p2 $0x8, v10;
	v8 =	vperm.xlane @!p2 v7, v8;
	_ =	sdelay $0x1  }
0x1df: {  	v8 =	vadd.s32 @!p2 v10, v8;
	_ =	sdelay $0x3  }
0x1e0: {  	vm0 =	vmmov @!p2 $0xffff;
	s31 =	simm.s32 @!p2 $0xE800;
	s30 =	simm.s32 @!p2 $0x0  }
0x1e1: {  	[tilespmem:s31], [sflag:$0x2] =	stream.indirect_vreg.gather @!p2 [hbm4b:s1+s30], $0x80, v8, vm0, $0xb8;
	[tilespmem:$0x1EC90] =	vst v63  }
0x1e2: {  	s31 =	simm.s32 @!p2 $0xF000  }
0x1e3: {  	[tilespmem:s31], [sflag:$0x2] =	stream.indirect_vreg.gather @!p2 [hbm4b:s15+s30], $0x80, v8, vm0, $0xb8;
	[tilespmem:$0x1EC90] =	vst v63  }
0x1e4: {  	s31 =	simm.s32 @!p2 $0xF800  }
0x1e5: {  	[tilespmem:s31], [sflag:$0x2] =	stream.indirect_vreg.gather @!p2 [hbm4b:s16+s30], $0x80, v8, vm0, $0xb8;
	[tilespmem:$0x1EC90] =	vst v63  }
0x1e6: {  	s31 =	simm.s32 @!p2 $0x10000  }
0x1e7: {  	[tilespmem:s31], [sflag:$0x2] =	stream.indirect_vreg.gather @!p2 [hbm4b:s17+s30], $0x80, v8, vm0, $0xb8;
	[tilespmem:$0x1EC90] =	vst v63  }
0x1e8: {  	s31 =	simm.s32 @!p2 $0x10800  }
0x1e9: {  	v9 =	vor.u32 @!p2 $0x8, v9;
	[tilespmem:s31], [sflag:$0x2] =	stream.indirect_vreg.gather @!p2 [hbm4b:s18+s30], $0x80, v8, vm0, $0xb8;
	[tilespmem:$0x1EC90] =	vst v63  }
0x1ea: {  	v7 =	vperm.xlane @!p2 v7, v9;
	s31 =	simm.s32 @!p2 $0x11000  }
0x1eb: {  	[tilespmem:s31], [sflag:$0x2] =	stream.indirect_vreg.gather @!p2 [hbm4b:s19+s30], $0x80, v8, vm0, $0xb8;
	[tilespmem:$0x1EC90] =	vst v63  }
0x1ec: {  	v7 =	vadd.s32 @!p2 v10, v7;
	s31 =	simm.s32 @!p2 $0x11800  }
0x1ed: {  	[tilespmem:s31], [sflag:$0x2] =	stream.indirect_vreg.gather @!p2 [hbm4b:s20+s30], $0x80, v8, vm0, $0xb8;
	[tilespmem:$0x1EC90] =	vst v63  }
0x1ee: {  	s31 =	simm.s32 @!p2 $0x12000  }
0x1ef: {  	[tilespmem:s31], [sflag:$0x2] =	stream.indirect_vreg.gather @!p2 [hbm4b:s22+s30], $0x80, v8, vm0, $0xb8;
	[tilespmem:$0x1EC90] =	vst v63  }
0x1f0: {  	s31 =	simm.s32 @!p2 $0x12800  }
0x1f1: {  	[tilespmem:s31], [sflag:$0x2] =	stream.indirect_vreg.gather @!p2 [hbm4b:s1+s30], $0x80, v7, vm0, $0xb8;
	[tilespmem:$0x1EC90] =	vst v63  }
0x1f2: {  	s31 =	simm.s32 @!p2 $0x13000  }
0x1f3: {  	[tilespmem:s31], [sflag:$0x2] =	stream.indirect_vreg.gather @!p2 [hbm4b:s15+s30], $0x80, v7, vm0, $0xb8;
	[tilespmem:$0x1EC90] =	vst v63  }
0x1f4: {  	s31 =	simm.s32 @!p2 $0x13800  }
0x1f5: {  	[tilespmem:s31], [sflag:$0x2] =	stream.indirect_vreg.gather @!p2 [hbm4b:s16+s30], $0x80, v7, vm0, $0xb8;
	[tilespmem:$0x1EC90] =	vst v63  }
0x1f6: {  	s31 =	simm.s32 @!p2 $0x14000  }
0x1f7: {  	[tilespmem:s31], [sflag:$0x2] =	stream.indirect_vreg.gather @!p2 [hbm4b:s17+s30], $0x80, v7, vm0, $0xb8;
	[tilespmem:$0x1EC90] =	vst v63  }
0x1f8: {  	s31 =	simm.s32 @!p2 $0x14800  }
0x1f9: {  	[tilespmem:s31], [sflag:$0x2] =	stream.indirect_vreg.gather @!p2 [hbm4b:s18+s30], $0x80, v7, vm0, $0xb8;
	[tilespmem:$0x1EC90] =	vst v63  }
0x1fa: {  	s31 =	simm.s32 @!p2 $0x15000  }
0x1fb: {  	[tilespmem:s31], [sflag:$0x2] =	stream.indirect_vreg.gather @!p2 [hbm4b:s19+s30], $0x80, v7, vm0, $0xb8;
	[tilespmem:$0x1EC90] =	vst v63  }
0x1fc: {  	s31 =	simm.s32 @!p2 $0x15800  }
0x1fd: {  	[tilespmem:s31], [sflag:$0x2] =	stream.indirect_vreg.gather @!p2 [hbm4b:s20+s30], $0x80, v7, vm0, $0xb8;
	[tilespmem:$0x1EC90] =	vst v63  }
0x1fe: {  	s31 =	simm.s32 @!p2 $0x16000  }
0x1ff: {  	[tilespmem:s31], [sflag:$0x2] =	stream.indirect_vreg.gather @!p2 [hbm4b:s22+s30], $0x80, v7, vm0, $0xb8;
	[tilespmem:$0x1EC90] =	vst v63  }
0x200: {  	s30 =	simm.s32 @!p1 $0x1  }
0x201: {  	s31 =	sshll.u32 @!p1 s26, $0xF;
	_ =	swait.ge @!p1 [sflag:s30], $0x8000  }
0x202: {  	s31 =	sadd.s32 @!p1 s14, s31;
	[sflag:s30] =	ssyncset.done @!p1 $0x0  }
0x203: {  	s0 =	simm.s32 @!p1 $0x6800;
	[sflag:s30] =	ssyncadd.s32 @!p1 $0xFFFF8000;
	s30 =	sshrl.u32 @!p1 s31, $0x3  }
0x204: {  	p2 =	seq.s32 @!p1 s29, $0x0;
	s31 =	simm.s32 @!p1 $0x0;
	s30 =	sadd.s32 @!p1 s2, s30  }
0x205: {  	[hbm4b:s30+s31] =	stream.linear.scatter @!p1 [tilespmem:s0], [sflag:$0x3], $0x8000, $0x38;
	[tilespmem:$0x1EC90] =	vst v63  }
0x206: {  	p1 =	por p1, !p2  }
.Ltmp11:
0x207: {  	_ = 	snop;
	(pc) =	sbr.rel @!p1 .LBB2_15-.Ltmp11, $1  }
0x208: {  	_ =	sdelay $0x3  }
0x209: {  	s28 =	sadd.s32 $0x1, s26  }
0x20a: {  	_ =	swait.ge [sflag:s8], $0x8000;
	p1 =	sge.s32 s28, s25  }
0x20b: {  	[sflag:s8] =	ssyncset.done $0x0;
	s0 =	sshll.u32 @!p1 s28, $0x6  }
0x20c: {  	[sflag:s8] =	ssyncadd.s32 $0xFFFF8000;
	s0 =	sshra.s32 @!p1 s0, $0x2  }
0x20d: {  	v7 =	vld @!p1 [tilespmem:s0+$0x6600];
	_ =	sdelay $0x4  }
0x20e: {  	v8 =	vshll.u32 @!p1 v7, $0x4  }
0x20f: {  	v9 =	vlaneseq.u32 @!p1;
	v7 =	vand.u32 @!p1 $0x7, v7;
	v8 =	vand.u32 @!p1 $0xFFFFFF80, v8  }
0x210: {  	v10 =	vshrl.u32 @!p1 v9, $0x3;
	v7 =	vor.u32 @!p1 v7, v8;
	v8 =	vand.u32 @!p1 $0x7, v9  }
0x211: {  	v10 =	vmul.u32 @!p1 $0x8, v10;
	v8 =	vperm.xlane @!p1 v7, v8;
	_ =	sdelay $0x1  }
0x212: {  	v8 =	vadd.s32 @!p1 v10, v8;
	_ =	sdelay $0x3  }
0x213: {  	vm0 =	vmmov @!p1 $0xffff;
	s29 =	simm.s32 @!p1 $0x6800;
	s0 =	simm.s32 @!p1 $0x0  }
0x214: {  	[tilespmem:s29], [sflag:$0x1] =	stream.indirect_vreg.gather @!p1 [hbm4b:s1+s0], $0x80, v8, vm0, $0xb8;
	[tilespmem:$0x1EC90] =	vst v63  }
0x215: {  	s29 =	simm.s32 @!p1 $0x7000  }
0x216: {  	[tilespmem:s29], [sflag:$0x1] =	stream.indirect_vreg.gather @!p1 [hbm4b:s15+s0], $0x80, v8, vm0, $0xb8;
	[tilespmem:$0x1EC90] =	vst v63  }
0x217: {  	s29 =	simm.s32 @!p1 $0x7800  }
0x218: {  	[tilespmem:s29], [sflag:$0x1] =	stream.indirect_vreg.gather @!p1 [hbm4b:s16+s0], $0x80, v8, vm0, $0xb8;
	[tilespmem:$0x1EC90] =	vst v63  }
0x219: {  	s29 =	simm.s32 @!p1 $0x8000  }
0x21a: {  	[tilespmem:s29], [sflag:$0x1] =	stream.indirect_vreg.gather @!p1 [hbm4b:s17+s0], $0x80, v8, vm0, $0xb8;
	[tilespmem:$0x1EC90] =	vst v63  }
0x21b: {  	s29 =	simm.s32 @!p1 $0x8800  }
0x21c: {  	v9 =	vor.u32 @!p1 $0x8, v9;
	[tilespmem:s29], [sflag:$0x1] =	stream.indirect_vreg.gather @!p1 [hbm4b:s18+s0], $0x80, v8, vm0, $0xb8;
	[tilespmem:$0x1EC90] =	vst v63  }
0x21d: {  	v7 =	vperm.xlane @!p1 v7, v9;
	s29 =	simm.s32 @!p1 $0x9000  }
0x21e: {  	[tilespmem:s29], [sflag:$0x1] =	stream.indirect_vreg.gather @!p1 [hbm4b:s19+s0], $0x80, v8, vm0, $0xb8;
	[tilespmem:$0x1EC90] =	vst v63  }
0x21f: {  	v7 =	vadd.s32 @!p1 v10, v7;
	s29 =	simm.s32 @!p1 $0x9800  }
0x220: {  	[tilespmem:s29], [sflag:$0x1] =	stream.indirect_vreg.gather @!p1 [hbm4b:s20+s0], $0x80, v8, vm0, $0xb8;
	[tilespmem:$0x1EC90] =	vst v63  }
0x221: {  	s29 =	simm.s32 @!p1 $0xA000  }
0x222: {  	[tilespmem:s29], [sflag:$0x1] =	stream.indirect_vreg.gather @!p1 [hbm4b:s22+s0], $0x80, v8, vm0, $0xb8;
	[tilespmem:$0x1EC90] =	vst v63  }
0x223: {  	s29 =	simm.s32 @!p1 $0xA800  }
0x224: {  	[tilespmem:s29], [sflag:$0x1] =	stream.indirect_vreg.gather @!p1 [hbm4b:s1+s0], $0x80, v7, vm0, $0xb8;
	[tilespmem:$0x1EC90] =	vst v63  }
0x225: {  	s29 =	simm.s32 @!p1 $0xB000  }
0x226: {  	[tilespmem:s29], [sflag:$0x1] =	stream.indirect_vreg.gather @!p1 [hbm4b:s15+s0], $0x80, v7, vm0, $0xb8;
	[tilespmem:$0x1EC90] =	vst v63  }
0x227: {  	s29 =	simm.s32 @!p1 $0xB800  }
0x228: {  	[tilespmem:s29], [sflag:$0x1] =	stream.indirect_vreg.gather @!p1 [hbm4b:s16+s0], $0x80, v7, vm0, $0xb8;
	[tilespmem:$0x1EC90] =	vst v63  }
0x229: {  	s29 =	simm.s32 @!p1 $0xC000  }
0x22a: {  	[tilespmem:s29], [sflag:$0x1] =	stream.indirect_vreg.gather @!p1 [hbm4b:s17+s0], $0x80, v7, vm0, $0xb8;
	[tilespmem:$0x1EC90] =	vst v63  }
0x22b: {  	s29 =	simm.s32 @!p1 $0xC800  }
0x22c: {  	[tilespmem:s29], [sflag:$0x1] =	stream.indirect_vreg.gather @!p1 [hbm4b:s18+s0], $0x80, v7, vm0, $0xb8;
	[tilespmem:$0x1EC90] =	vst v63  }
0x22d: {  	s29 =	simm.s32 @!p1 $0xD000  }
0x22e: {  	[tilespmem:s29], [sflag:$0x1] =	stream.indirect_vreg.gather @!p1 [hbm4b:s19+s0], $0x80, v7, vm0, $0xb8;
	[tilespmem:$0x1EC90] =	vst v63  }
0x22f: {  	s29 =	simm.s32 @!p1 $0xD800  }
0x230: {  	[tilespmem:s29], [sflag:$0x1] =	stream.indirect_vreg.gather @!p1 [hbm4b:s20+s0], $0x80, v7, vm0, $0xb8;
	[tilespmem:$0x1EC90] =	vst v63  }
0x231: {  	s29 =	simm.s32 @!p1 $0xE000  }
0x232: {  	[tilespmem:s29], [sflag:$0x1] =	stream.indirect_vreg.gather @!p1 [hbm4b:s22+s0], $0x80, v7, vm0, $0xb8;
	[tilespmem:$0x1EC90] =	vst v63  }
.Ltmp12:
0x233: {  	s31 =	sshll.u32 s26, $0xF;
	(pc) =	sbr.rel .LBB2_15-.Ltmp12, $4  }
0x234: {  	s0 =	sadd.s32 s14, s31;
	_ =	swait.ge [sflag:s9], $0x8000  }
0x235: {  	s0 =	sshrl.u32 s0, $0x3;
	[sflag:s9] =	ssyncset.done $0x0  }
0x236: {  	s0 =	sadd.s32 s2, s0;
	[sflag:s9] =	ssyncadd.s32 $0xFFFF8000  }
0x237: {  	[hbm4b:s0+s7] =	stream.linear.scatter [tilespmem:s10], [sflag:$0x4], $0x8000, $0x38;
	[tilespmem:$0x1EC90] =	vst v63  }
.LBB2_16:
0x238: {  	s0 =	sand.u32 $0x1, s25  }
0x239: {  	p1 =	seq.s32 s0, $0x0  }
0x23a: {  	s25 =	simm.s32 @!p1 $0x3  }
0x23b: {  	_ =	swait.ge @!p1 [sflag:s25], $0x8000  }
0x23c: {  	p2 =	sne.s32 s0, $0x0;
	[sflag:s25] =	ssyncset.done @!p1 $0x0  }
0x23d: {  	s0 =	simm.s32 @!p2 $0x4;
	[sflag:s25] =	ssyncadd.s32 @!p1 $0xFFFF8000  }
0x23e: {  	_ =	swait.ge @!p2 [sflag:s0], $0x8000  }
0x23f: {  	[sflag:s0] =	ssyncset.done @!p2 $0x0  }
0x240: {  	[sflag:s0] =	ssyncadd.s32 @!p2 $0xFFFF8000  }
.LBB2_17:
0x241: {  	p1 =	sge.s32 s24, s13;
	s0 =	rddreg [dreg:$0xc]  }
0x242: {  	s0 =	sadd.s32 @!p1 s0, s24;
	v7 =	vlaneseq.u32 @!p1  }
0x243: {  	v8 =	vadd.s32 @!p1 s0, v7;
	s0 =	rddreg [dreg:$0xf]  }
0x244: {  	s0 =	sadd.s32 @!p1 s13, s0  }
0x245: {  	vm0 =	vlt.s32 @!p1 v8, s0  }
0x246: {  	v8 =	vnsel @!p1 vm0, s0, v8  }
0x247: {  	v9 =	vshll.u32 @!p1 v8, $0x4  }
0x248: {  	v10 =	vand.u32 @!p1 $0x7, v8;
	v9 =	vand.u32 @!p1 $0xFFFFFF80, v9  }
0x249: {  	v11 =	vshrl.u32 @!p1 v7, $0x3;
	v9 =	vor.u32 @!p1 v10, v9;
	v10 =	vand.u32 @!p1 $0x7, v7  }
0x24a: {  	v11 =	vmul.u32 @!p1 $0x8, v11;
	v10 =	vperm.xlane @!p1 v9, v10;
	_ =	sdelay $0x1  }
0x24b: {  	v10 =	vadd.s32 @!p1 v11, v10;
	_ =	sdelay $0x3  }
0x24c: {  	s13 =	simm.s32 @!p1 $0x16800;
	vm0 =	vmmov @!p1 $0xffff;
	s0 =	simm.s32 @!p1 $0x0;
	[tilespmem:$0x1E800] =	vst @!p1 v8  }
0x24d: {  	[hbm4b:s2+s0] =	stream.indirect_vreg.scatter @!p1 [tilespmem:s13], [sflag:$0x5], $0x80, v10, vm0, $0xb8;
	[tilespmem:$0x1EC90] =	vst v63  }
0x24e: {  	s24 =	rddreg [dreg:$0x10];
	s13 =	simm.s32 @!p1 $0x17000  }
0x24f: {  	[hbm4b:s24+s0] =	stream.indirect_vreg.scatter @!p1 [tilespmem:s13], [sflag:$0x5], $0x80, v10, vm0, $0xb8;
	[tilespmem:$0x1EC90] =	vst v63  }
0x250: {  	s25 =	rddreg [dreg:$0x11];
	s13 =	simm.s32 @!p1 $0x17800  }
0x251: {  	[hbm4b:s25+s0] =	stream.indirect_vreg.scatter @!p1 [tilespmem:s13], [sflag:$0x5], $0x80, v10, vm0, $0xb8;
	[tilespmem:$0x1EC90] =	vst v63  }
0x252: {  	s26 =	rddreg [dreg:$0x12];
	s13 =	simm.s32 @!p1 $0x18000  }
0x253: {  	[hbm4b:s26+s0] =	stream.indirect_vreg.scatter @!p1 [tilespmem:s13], [sflag:$0x5], $0x80, v10, vm0, $0xb8;
	[tilespmem:$0x1EC90] =	vst v63  }
0x254: {  	s28 =	rddreg [dreg:$0x13];
	s13 =	simm.s32 @!p1 $0x18800  }
0x255: {  	v7 =	vor.u32 @!p1 $0x8, v7;
	[hbm4b:s28+s0] =	stream.indirect_vreg.scatter @!p1 [tilespmem:s13], [sflag:$0x5], $0x80, v10, vm0, $0xb8;
	[tilespmem:$0x1EC90] =	vst v63  }
0x256: {  	s29 =	rddreg [dreg:$0x14];
	v7 =	vperm.xlane @!p1 v9, v7;
	s13 =	simm.s32 @!p1 $0x19000  }
0x257: {  	[hbm4b:s29+s0] =	stream.indirect_vreg.scatter @!p1 [tilespmem:s13], [sflag:$0x5], $0x80, v10, vm0, $0xb8;
	[tilespmem:$0x1EC90] =	vst v63  }
0x258: {  	s30 =	rddreg [dreg:$0x15];
	v7 =	vadd.s32 @!p1 v11, v7;
	s13 =	simm.s32 @!p1 $0x19800  }
0x259: {  	[hbm4b:s30+s0] =	stream.indirect_vreg.scatter @!p1 [tilespmem:s13], [sflag:$0x5], $0x80, v10, vm0, $0xb8;
	[tilespmem:$0x1EC90] =	vst v63  }
0x25a: {  	s31 =	rddreg [dreg:$0x16];
	s13 =	simm.s32 @!p1 $0x1A000  }
0x25b: {  	[hbm4b:s31+s0] =	stream.indirect_vreg.scatter @!p1 [tilespmem:s13], [sflag:$0x5], $0x80, v10, vm0, $0xb8;
	[tilespmem:$0x1EC90] =	vst v63  }
0x25c: {  	s13 =	simm.s32 @!p1 $0x1A800  }
0x25d: {  	[hbm4b:s2+s0] =	stream.indirect_vreg.scatter @!p1 [tilespmem:s13], [sflag:$0x5], $0x80, v7, vm0, $0xb8;
	[tilespmem:$0x1EC90] =	vst v63  }
0x25e: {  	s13 =	simm.s32 @!p1 $0x1B000  }
0x25f: {  	[hbm4b:s24+s0] =	stream.indirect_vreg.scatter @!p1 [tilespmem:s13], [sflag:$0x5], $0x80, v7, vm0, $0xb8;
	[tilespmem:$0x1EC90] =	vst v63  }
0x260: {  	s13 =	simm.s32 @!p1 $0x1B800  }
0x261: {  	[hbm4b:s25+s0] =	stream.indirect_vreg.scatter @!p1 [tilespmem:s13], [sflag:$0x5], $0x80, v7, vm0, $0xb8;
	[tilespmem:$0x1EC90] =	vst v63  }
0x262: {  	s13 =	simm.s32 @!p1 $0x1C000  }
0x263: {  	[hbm4b:s26+s0] =	stream.indirect_vreg.scatter @!p1 [tilespmem:s13], [sflag:$0x5], $0x80, v7, vm0, $0xb8;
	[tilespmem:$0x1EC90] =	vst v63  }
0x264: {  	s13 =	simm.s32 @!p1 $0x1C800  }
0x265: {  	[hbm4b:s28+s0] =	stream.indirect_vreg.scatter @!p1 [tilespmem:s13], [sflag:$0x5], $0x80, v7, vm0, $0xb8;
	[tilespmem:$0x1EC90] =	vst v63  }
0x266: {  	s13 =	simm.s32 @!p1 $0x1D000  }
0x267: {  	[hbm4b:s29+s0] =	stream.indirect_vreg.scatter @!p1 [tilespmem:s13], [sflag:$0x5], $0x80, v7, vm0, $0xb8;
	[tilespmem:$0x1EC90] =	vst v63  }
0x268: {  	s13 =	simm.s32 @!p1 $0x1D800  }
0x269: {  	[hbm4b:s30+s0] =	stream.indirect_vreg.scatter @!p1 [tilespmem:s13], [sflag:$0x5], $0x80, v7, vm0, $0xb8;
	[tilespmem:$0x1EC90] =	vst v63  }
0x26a: {  	s13 =	simm.s32 @!p1 $0x1E000  }
0x26b: {  	[hbm4b:s31+s0] =	stream.indirect_vreg.scatter @!p1 [tilespmem:s13], [sflag:$0x5], $0x80, v7, vm0, $0xb8;
	[tilespmem:$0x1EC90] =	vst v63  }
.Ltmp13:
0x26c: {  	_ = 	snop;
	(pc) =	sbr.rel @p0 .LBB2_21-.Ltmp13, $4  }
0x26d: {  	s0 =	simm.s32 @!p1 $0x5  }
0x26e: {  	_ =	swait.ge @!p1 [sflag:s0], $0x8000  }
0x26f: {  	[sflag:s0] =	ssyncset.done @!p1 $0x0  }
0x270: {  	[sflag:s0] =	ssyncadd.s32 @!p1 $0xFFFF8000  }
0x271: {  	p0 =	sne.s32 s23, $0x1  }
.Ltmp14:
0x272: {  	_ = 	snop;
	(pc) =	sbr.rel @!p0 .LBB2_20-.Ltmp14, $3  }
0x273: {  	_ =	sdelay $0x1  }
0x274: {  	_ =	swait.ge [sflag:s11], $0x8000  }
0x275: {  	s13 =	sadd.s32 $0xFFFFFFFF, s23;
	[sflag:s11] =	ssyncset.done $0x0  }
.LBB2_19:
0x276: {  	p0 =	sne.s32 s13, $0x1;
	s13 =	sadd.s32 $0xFFFFFFFF, s13;
	[sflag:s11] =	ssyncadd.s32 $0xFFFF8000  }
.Ltmp15:
0x277: {  	(pc) =	sbr.rel @p0 .LBB2_19-.Ltmp15, $3  }
0x278: {  	_ =	sdelay $0x1  }
0x279: {  	_ =	swait.ge [sflag:s11], $0x8000  }
0x27a: {  	[sflag:s11] =	ssyncset.done $0x0  }
.Ltmp16:
0x27b: {  	_ = 	snop;
	(pc) =	sbr.rel .LBB2_20-.Ltmp16, $1  }
0x27c: {  	_ =	sdelay $0x3  }
.LBB2_22:
0x27d: {  	_ =	sfence.sel $0x180000  }
0x27e: {  	[bflag:$0x0] =	sbarrier.arrive $0xFFFF  }
0x27f: {  	_ =	strace $0x90000047  }
0x280: {  	s0 =	stileid.u32;
	[bflag:$0x2] =	sbarrier.arrive $0xFFFF  }
0x281: {  	p0 =	sne.s32 s0, $0x0;
	s0 =	rddreg [dreg:$0x6]  }
0x282: {  	s0 =	sadd.s32 @!p0 $0x100000, s0  }
0x283: {  	[sflag:s0] =	ssyncadd.tile.s32 @!p0 $0x1;
	_ =	shalt  }
.Lfunc_end2:
_tile_overlayer_lowered:
.L_overlay_start_2:
0x284: {  	(tag) =	ssettag $0x2  }
0x285: {  	s0 =	rddreg [dreg:$0x0];
	s2 =	stileid.u32  }
0x286: {  	s1 =	rddreg [dreg:$0x1];
	p0 =	sne.s32 s2, $0x0  }
0x287: {  	s3 =	rddreg [dreg:$0x2];
	[bflag:$0x3] =	sbarrier.arrive $0xFFFF;
	s2 =	simm.s32 @!p0 $0x1C06  }
0x288: {  	[timem:s3], [sflag:s2] =	dma.local @!p0 [hbm:s0], s1  }
0x289: {  	s0 =	simm.s32 @!p0 $0x6  }
0x28a: {  	_ =	swait.ge @!p0 [sflag:s0], s1  }
0x28b: {  	s1 =	ssub.s32 @!p0 $0x0, s1;
	[sflag:s0] =	ssyncset.done @!p0 $0x0  }
0x28c: {  	[sflag:s0] =	ssyncadd.s32 @!p0 s1  }
0x28d: {  	[bflag:$0x3] =	sbarrier.arrive $0xFFFF  }
0x28e: {  	_ =	shalt  }

</sc_bundles>
